<compile_context>
chip_gen: v7x
topology: tpu7x:2x2x1
jax: 0.10.2.dev20260603
libtpu: 0.0.44.dev20260713+nightly
codegen_flags: <defaults>
</compile_context>

<pallas_src>
import functools

import jax
import jax.numpy as jnp
from jax import lax
from jax.experimental import pallas as pl
from jax.experimental.pallas import tpu as pltpu
from jax.experimental.pallas import tpu_sc as plsc

N = 16384
K = 8192
D = 256
BETA = 0.5


BN = 1024
BK = 1024


def _argmin_body(esq_ref, z_ref, e_ref, idx_ref):
    z2 = -2.0 * z_ref[...]
    zsq = jnp.sum(z_ref[...] ** 2, axis=1, keepdims=True)
    lane = lax.broadcasted_iota(jnp.int32, (1, 128), 1).astype(jnp.float32)

    rmin = rcol = None
    for t in range(K // BK):
        s2 = lax.dot_general(
            z2, e_ref[t * BK:(t + 1) * BK, :],
            dimension_numbers=(((1,), (1,)), ((), ())),
            preferred_element_type=jnp.float32,
        )
        vals, cols = [], []
        for c in range(BK // 128):
            base = t * BK + c * 128
            vals.append((zsq + esq_ref[:, base:base + 128])
                        + s2[:, c * 128:(c + 1) * 128])
            cols.append(lane + float(base))
        while len(vals) > 1:
            nv, nc = [], []
            for p in range(0, len(vals), 2):
                better = vals[p + 1] < vals[p]
                nv.append(jnp.where(better, vals[p + 1], vals[p]))
                nc.append(jnp.where(better, cols[p + 1], cols[p]))
            vals, cols = nv, nc
        if rmin is None:
            rmin, rcol = vals[0], cols[0]
        else:
            better = vals[0] < rmin
            rmin = jnp.where(better, vals[0], rmin)
            rcol = jnp.where(better, cols[0], rcol)

    m = jnp.min(rmin, axis=1, keepdims=True)
    cand = jnp.where(rmin == m, rcol, jnp.float32(2 * K))
    idx_ref[...] = jnp.min(cand, axis=1, keepdims=True).astype(jnp.int32)


def _argmin_call(esq, z, e):
    return pl.pallas_call(
        _argmin_body,
        grid=(N // BN,),
        in_specs=[
            pl.BlockSpec((1, K), lambda i: (0, 0)),
            pl.BlockSpec((BN, D), lambda i: (i, 0)),
            pl.BlockSpec((K, D), lambda i: (0, 0)),
        ],
        out_specs=pl.BlockSpec((BN, 1), lambda i: (i, 0)),
        out_shape=jax.ShapeDtypeStruct((N, 1), jnp.int32),
        compiler_params=pltpu.CompilerParams(
            dimension_semantics=("arbitrary",),
            vmem_limit_bytes=100 * 1024 * 1024,
        ),
    )(esq, z, e)



_SC_CORES = 2
_SC_SUBCORES = 16
_NW = _SC_CORES * _SC_SUBCORES
_ROWS_PER_W = N // _NW
_CHUNK = 128
_NCHUNK = _ROWS_PER_W // _CHUNK


def _gather_call(table, idx):
    mesh = plsc.VectorSubcoreMesh(
        core_axis_name="c", subcore_axis_name="s",
        num_cores=_SC_CORES, num_subcores=_SC_SUBCORES,
    )

    @functools.partial(
        pl.kernel,
        out_type=jax.ShapeDtypeStruct((N, D), jnp.float32),
        mesh=mesh,
        scratch_types=[
            pltpu.VMEM((_NCHUNK, _CHUNK), jnp.int32),
            pltpu.VMEM((_CHUNK, D), jnp.float32),
            pltpu.VMEM((_CHUNK, D), jnp.float32),
            pltpu.SemaphoreType.DMA,
            pltpu.SemaphoreType.DMA,
        ],
    )
    def gather_kernel(table_hbm, idx_hbm, out_hbm, idx_v, r0, r1, s0, s1):
        wid = lax.axis_index("s") * _SC_CORES + lax.axis_index("c")
        base = wid * _ROWS_PER_W
        pltpu.sync_copy(idx_hbm.at[pl.ds(wid * _NCHUNK, _NCHUNK)], idx_v)
        bufs, sems = (r0, r1), (s0, s1)
        handles = [None] * _NCHUNK
        for c in range(2):
            handles[c] = pltpu.async_copy(
                table_hbm.at[idx_v.at[c]], bufs[c % 2], sems[c % 2])
        for c in range(_NCHUNK):
            handles[c].wait()
            pltpu.sync_copy(bufs[c % 2],
                            out_hbm.at[pl.ds(base + c * _CHUNK, _CHUNK)])
            if c + 2 < _NCHUNK:
                handles[c + 2] = pltpu.async_copy(
                    table_hbm.at[idx_v.at[c + 2]],
                    bufs[(c + 2) % 2], sems[(c + 2) % 2])

    return gather_kernel(table, idx.reshape(N // _CHUNK, _CHUNK))



BE = 2048


def _st_loss_body(z_ref, zq_ref, out_ref, loss_ref, acc_s):
    i = pl.program_id(0)
    ni = pl.num_programs(0)
    zq = zq_ref[...]
    z = z_ref[...]
    diff = zq - z
    out_ref[...] = z + diff

    @pl.when(i == 0)
    def _init():
        acc_s[...] = jnp.zeros_like(acc_s)

    acc_s[...] += jnp.sum(diff * diff, keepdims=True).reshape(1, 1)

    @pl.when(i == ni - 1)
    def _flush():
        loss_ref[...] = acc_s[...] * ((1.0 + BETA) / (N * D))


def _st_loss_call(z, zq):
    return pl.pallas_call(
        _st_loss_body,
        grid=(N // BE,),
        in_specs=[
            pl.BlockSpec((BE, D), lambda i: (i, 0)),
            pl.BlockSpec((BE, D), lambda i: (i, 0)),
        ],
        out_specs=[
            pl.BlockSpec((BE, D), lambda i: (i, 0)),
            pl.BlockSpec((1, 1), lambda i: (0, 0)),
        ],
        out_shape=[
            jax.ShapeDtypeStruct((N, D), jnp.float32),
            jax.ShapeDtypeStruct((1, 1), jnp.float32),
        ],
        scratch_shapes=[pltpu.VMEM((1, 1), jnp.float32)],
        compiler_params=pltpu.CompilerParams(
            dimension_semantics=("arbitrary",),
        ),
    )(z, zq)



def kernel(z, embedding_weight):
    esq = jnp.sum(embedding_weight ** 2, axis=1)
    idx2 = _argmin_call(esq.reshape(1, K), z, embedding_weight)
    indices = idx2.reshape(N)
    zq = _gather_call(embedding_weight, indices)
    zq_out, loss11 = _st_loss_call(z, zq)
    return zq_out, indices, loss11.reshape(())

# --- scband reference (transcript-rebuilt; emitter-appended) ---
"""Pipeline reference for scband-vector-quantizer-46901042873038 (READ-ONLY COPY).

The authoritative reference and input builder live on the scoring server;
editing this copy changes nothing except your own understanding.
"""

import jax, jax.numpy as jnp
import numpy as np

K = 8192
D = 256
BETA = 0.5
N = 16384

def setup_inputs(seed: int = 0) -> dict:
    key = jax.random.key(seed)
    k1, k2 = jax.random.split(key)
    z = jax.random.normal(k1, (N, D), dtype=jnp.float32)
    embedding_weight = jax.random.uniform(k2, (K, D), dtype=jnp.float32, minval=-1.0 / K, maxval=1.0 / K)
    return {"z": z, "embedding_weight": embedding_weight}

def reference(z, embedding_weight):
    # pairwise squared distances: ||z||^2 + ||e||^2 - 2 z e^T
    d = (jnp.sum(z ** 2, axis=1, keepdims=True)
         + jnp.sum(embedding_weight ** 2, axis=1)
         - 2.0 * jnp.matmul(z, embedding_weight.T))
    indices = jnp.argmin(d, axis=1)
    zq = jnp.take(embedding_weight, indices, axis=0)
    loss = (BETA * jnp.mean((jax.lax.stop_gradient(zq) - z) ** 2)
            + jnp.mean((zq - jax.lax.stop_gradient(z)) ** 2))
    zq_out = z + jax.lax.stop_gradient(zq - z)
    return (zq_out, indices, loss)

if __name__ == "__main__":
    import jax
    _d = setup_inputs()
    print(jax.jit(kernel)(*tuple(_d.values())))

</pallas_src>

<mosaic_0001>
#map = affine_map<(d0, d1) -> (0, 0)>
module attributes {stable_mosaic.version = 14 : i64} {
  func.func @gather_kernel(%arg0: i32, %arg1: i32, %arg2: memref<8192x256xf32, #tpu.memory_space<hbm>>, %arg3: memref<128x128xi32, #tpu.memory_space<hbm>>, %arg4: memref<16384x256xf32, #tpu.memory_space<hbm>>, %arg5: memref<4x128xi32, #tpu.memory_space<vmem>>, %arg6: memref<128x256xf32, #tpu.memory_space<vmem>>, %arg7: memref<128x256xf32, #tpu.memory_space<vmem>>, %arg8: memref<!tpu.dma_semaphore, #tpu.memory_space<semaphore_mem>>, %arg9: memref<!tpu.dma_semaphore, #tpu.memory_space<semaphore_mem>>) attributes {dimension_semantics = [#tpu.dimension_semantics<core_parallel>, #tpu.dimension_semantics<subcore_parallel>], iteration_bounds = array<i64: 2, 16>, scalar_prefetch = 0 : i64, scratch_operands = 5 : i64, tpu.core_type = #tpu.core_type<sc_vector_subcore>, window_params = [{transform_indices = #map}, {transform_indices = #map}, {transform_indices = #map}]} {
    %mul3A = arith.constant 2 : i32
    %mul3A_0 = arith.muli %arg1, %mul3A : i32
    %add3A = arith.addi %mul3A_0, %arg0 : i32
    %mul3A_1 = arith.constant 512 : i32
    %mul3A_2 = arith.muli %add3A, %mul3A_1 : i32
    %mul3A_3 = arith.constant 4 : i32
    %mul3A_4 = arith.muli %add3A, %mul3A_3 : i32
    "tpu.region"() ({
      %run_scoped3A = tpu.sem_alloc : memref<!tpu.dma_semaphore, #tpu.memory_space<semaphore_mem>>
      %dma_start3A_67 = arith.constant 0 : i32
      %dma_start3A_68 = tpu.memref_slice %arg3[%mul3A_4, %dma_start3A_67] : memref<128x128xi32, #tpu.memory_space<hbm>> -> memref<4x128xi32, #tpu.memory_space<hbm>>
      %dma_start3A_69 = arith.constant 0 : i32
      %dma_start3A_70 = tpu.memref_slice %arg3[%mul3A_4, %dma_start3A_69] : memref<128x128xi32, #tpu.memory_space<hbm>> -> memref<4x128xi32, #tpu.memory_space<hbm>>
      tpu.enqueue_dma source(%dma_start3A_70 : memref<4x128xi32, #tpu.memory_space<hbm>>) target(%arg5 : memref<4x128xi32, #tpu.memory_space<vmem>>) target_semaphore(%run_scoped3A : memref<!tpu.dma_semaphore, #tpu.memory_space<semaphore_mem>>)
      %dma_wait3A_71 = arith.constant 0 : i32
      %dma_wait3A_72 = tpu.memref_slice %arg3[%mul3A_4, %dma_wait3A_71] : memref<128x128xi32, #tpu.memory_space<hbm>> -> memref<4x128xi32, #tpu.memory_space<hbm>>
      %dma_wait3A_73 = arith.constant 0 : i32
      %dma_wait3A_74 = tpu.memref_slice %arg3[%mul3A_4, %dma_wait3A_73] : memref<128x128xi32, #tpu.memory_space<hbm>> -> memref<4x128xi32, #tpu.memory_space<hbm>>
      tpu.wait_dma2 semaphore(%run_scoped3A : memref<!tpu.dma_semaphore, #tpu.memory_space<semaphore_mem>>) src(%dma_wait3A_74 : memref<4x128xi32, #tpu.memory_space<hbm>>) dst(%arg5 : memref<4x128xi32, #tpu.memory_space<vmem>>)
      tpu.yield
    }) : () -> ()
    %dma_start3A = arith.constant 0 : i32
    %dma_start3A_5 = arith.constant 0 : i32
    %dma_start3A_6 = tpu.memref_slice %arg5[%dma_start3A, %dma_start3A_5] : memref<4x128xi32, #tpu.memory_space<vmem>> -> memref<1x128xi32, #tpu.memory_space<vmem>>
    %dma_start3A_7 = tpu.memref_squeeze %dma_start3A_6 : memref<1x128xi32, #tpu.memory_space<vmem>> -> memref<128xi32, #tpu.memory_space<vmem>>
    %dma_start3A_8 = arith.constant 0 : i32
    %dma_start3A_9 = arith.constant 0 : i32
    %dma_start3A_10 = tpu.memref_slice %arg2[%dma_start3A_8, %dma_start3A_9] : memref<8192x256xf32, #tpu.memory_space<hbm>> -> memref<8192x256xf32, #tpu.memory_space<hbm>>
    tpu.enqueue_indirect_dma source(%dma_start3A_10 : memref<8192x256xf32, #tpu.memory_space<hbm>>) target(%arg6 : memref<128x256xf32, #tpu.memory_space<vmem>>) offsets(%dma_start3A_7 : memref<128xi32, #tpu.memory_space<vmem>>) semaphore(%arg8 : memref<!tpu.dma_semaphore, #tpu.memory_space<semaphore_mem>>)
    %dma_start3A_11 = arith.constant 1 : i32
    %dma_start3A_12 = arith.constant 0 : i32
    %dma_start3A_13 = tpu.memref_slice %arg5[%dma_start3A_11, %dma_start3A_12] : memref<4x128xi32, #tpu.memory_space<vmem>> -> memref<1x128xi32, #tpu.memory_space<vmem>>
    %dma_start3A_14 = tpu.memref_squeeze %dma_start3A_13 : memref<1x128xi32, #tpu.memory_space<vmem>> -> memref<128xi32, #tpu.memory_space<vmem>>
    %dma_start3A_15 = arith.constant 0 : i32
    %dma_start3A_16 = arith.constant 0 : i32
    %dma_start3A_17 = tpu.memref_slice %arg2[%dma_start3A_15, %dma_start3A_16] : memref<8192x256xf32, #tpu.memory_space<hbm>> -> memref<8192x256xf32, #tpu.memory_space<hbm>>
    tpu.enqueue_indirect_dma source(%dma_start3A_17 : memref<8192x256xf32, #tpu.memory_space<hbm>>) target(%arg7 : memref<128x256xf32, #tpu.memory_space<vmem>>) offsets(%dma_start3A_14 : memref<128xi32, #tpu.memory_space<vmem>>) semaphore(%arg9 : memref<!tpu.dma_semaphore, #tpu.memory_space<semaphore_mem>>)
    %dma_wait3A = arith.constant 0 : i32
    %dma_wait3A_18 = arith.constant 0 : i32
    %dma_wait3A_19 = tpu.memref_slice %arg5[%dma_wait3A, %dma_wait3A_18] : memref<4x128xi32, #tpu.memory_space<vmem>> -> memref<1x128xi32, #tpu.memory_space<vmem>>
    %dma_wait3A_20 = tpu.memref_squeeze %dma_wait3A_19 : memref<1x128xi32, #tpu.memory_space<vmem>> -> memref<128xi32, #tpu.memory_space<vmem>>
    %dma_wait3A_21 = arith.constant 0 : i32
    %dma_wait3A_22 = arith.constant 0 : i32
    %dma_wait3A_23 = tpu.memref_slice %arg2[%dma_wait3A_21, %dma_wait3A_22] : memref<8192x256xf32, #tpu.memory_space<hbm>> -> memref<8192x256xf32, #tpu.memory_space<hbm>>
    tpu.wait_indirect_dma semaphore(%arg8 : memref<!tpu.dma_semaphore, #tpu.memory_space<semaphore_mem>>) src(%dma_wait3A_23 : memref<8192x256xf32, #tpu.memory_space<hbm>>) dst(%arg6 : memref<128x256xf32, #tpu.memory_space<vmem>>)
    %add3A_24 = arith.constant 0 : i32
    %add3A_25 = arith.addi %mul3A_2, %add3A_24 : i32
    "tpu.region"() ({
      %run_scoped3A = tpu.sem_alloc : memref<!tpu.dma_semaphore, #tpu.memory_space<semaphore_mem>>
      %dma_start3A_67 = arith.constant 0 : i32
      %dma_start3A_68 = tpu.memref_slice %arg4[%add3A_25, %dma_start3A_67] : memref<16384x256xf32, #tpu.memory_space<hbm>> -> memref<128x256xf32, #tpu.memory_space<hbm>>
      %dma_start3A_69 = arith.constant 0 : i32
      %dma_start3A_70 = tpu.memref_slice %arg4[%add3A_25, %dma_start3A_69] : memref<16384x256xf32, #tpu.memory_space<hbm>> -> memref<128x256xf32, #tpu.memory_space<hbm>>
      tpu.enqueue_dma source(%arg6 : memref<128x256xf32, #tpu.memory_space<vmem>>) target(%dma_start3A_70 : memref<128x256xf32, #tpu.memory_space<hbm>>) target_semaphore(%run_scoped3A : memref<!tpu.dma_semaphore, #tpu.memory_space<semaphore_mem>>)
      %dma_wait3A_71 = arith.constant 0 : i32
      %dma_wait3A_72 = tpu.memref_slice %arg4[%add3A_25, %dma_wait3A_71] : memref<16384x256xf32, #tpu.memory_space<hbm>> -> memref<128x256xf32, #tpu.memory_space<hbm>>
      %dma_wait3A_73 = arith.constant 0 : i32
      %dma_wait3A_74 = tpu.memref_slice %arg4[%add3A_25, %dma_wait3A_73] : memref<16384x256xf32, #tpu.memory_space<hbm>> -> memref<128x256xf32, #tpu.memory_space<hbm>>
      tpu.wait_dma2 semaphore(%run_scoped3A : memref<!tpu.dma_semaphore, #tpu.memory_space<semaphore_mem>>) src(%arg6 : memref<128x256xf32, #tpu.memory_space<vmem>>) dst(%dma_wait3A_74 : memref<128x256xf32, #tpu.memory_space<hbm>>)
      tpu.yield
    }) : () -> ()
    %dma_start3A_26 = arith.constant 2 : i32
    %dma_start3A_27 = arith.constant 0 : i32
    %dma_start3A_28 = tpu.memref_slice %arg5[%dma_start3A_26, %dma_start3A_27] : memref<4x128xi32, #tpu.memory_space<vmem>> -> memref<1x128xi32, #tpu.memory_space<vmem>>
    %dma_start3A_29 = tpu.memref_squeeze %dma_start3A_28 : memref<1x128xi32, #tpu.memory_space<vmem>> -> memref<128xi32, #tpu.memory_space<vmem>>
    %dma_start3A_30 = arith.constant 0 : i32
    %dma_start3A_31 = arith.constant 0 : i32
    %dma_start3A_32 = tpu.memref_slice %arg2[%dma_start3A_30, %dma_start3A_31] : memref<8192x256xf32, #tpu.memory_space<hbm>> -> memref<8192x256xf32, #tpu.memory_space<hbm>>
    tpu.enqueue_indirect_dma source(%dma_start3A_32 : memref<8192x256xf32, #tpu.memory_space<hbm>>) target(%arg6 : memref<128x256xf32, #tpu.memory_space<vmem>>) offsets(%dma_start3A_29 : memref<128xi32, #tpu.memory_space<vmem>>) semaphore(%arg8 : memref<!tpu.dma_semaphore, #tpu.memory_space<semaphore_mem>>)
    %dma_wait3A_33 = arith.constant 1 : i32
    %dma_wait3A_34 = arith.constant 0 : i32
    %dma_wait3A_35 = tpu.memref_slice %arg5[%dma_wait3A_33, %dma_wait3A_34] : memref<4x128xi32, #tpu.memory_space<vmem>> -> memref<1x128xi32, #tpu.memory_space<vmem>>
    %dma_wait3A_36 = tpu.memref_squeeze %dma_wait3A_35 : memref<1x128xi32, #tpu.memory_space<vmem>> -> memref<128xi32, #tpu.memory_space<vmem>>
    %dma_wait3A_37 = arith.constant 0 : i32
    %dma_wait3A_38 = arith.constant 0 : i32
    %dma_wait3A_39 = tpu.memref_slice %arg2[%dma_wait3A_37, %dma_wait3A_38] : memref<8192x256xf32, #tpu.memory_space<hbm>> -> memref<8192x256xf32, #tpu.memory_space<hbm>>
    tpu.wait_indirect_dma semaphore(%arg9 : memref<!tpu.dma_semaphore, #tpu.memory_space<semaphore_mem>>) src(%dma_wait3A_39 : memref<8192x256xf32, #tpu.memory_space<hbm>>) dst(%arg7 : memref<128x256xf32, #tpu.memory_space<vmem>>)
    %add3A_40 = arith.constant 128 : i32
    %add3A_41 = arith.addi %mul3A_2, %add3A_40 : i32
    "tpu.region"() ({
      %run_scoped3A = tpu.sem_alloc : memref<!tpu.dma_semaphore, #tpu.memory_space<semaphore_mem>>
      %dma_start3A_67 = arith.constant 0 : i32
      %dma_start3A_68 = tpu.memref_slice %arg4[%add3A_41, %dma_start3A_67] : memref<16384x256xf32, #tpu.memory_space<hbm>> -> memref<128x256xf32, #tpu.memory_space<hbm>>
      %dma_start3A_69 = arith.constant 0 : i32
      %dma_start3A_70 = tpu.memref_slice %arg4[%add3A_41, %dma_start3A_69] : memref<16384x256xf32, #tpu.memory_space<hbm>> -> memref<128x256xf32, #tpu.memory_space<hbm>>
      tpu.enqueue_dma source(%arg7 : memref<128x256xf32, #tpu.memory_space<vmem>>) target(%dma_start3A_70 : memref<128x256xf32, #tpu.memory_space<hbm>>) target_semaphore(%run_scoped3A : memref<!tpu.dma_semaphore, #tpu.memory_space<semaphore_mem>>)
      %dma_wait3A_71 = arith.constant 0 : i32
      %dma_wait3A_72 = tpu.memref_slice %arg4[%add3A_41, %dma_wait3A_71] : memref<16384x256xf32, #tpu.memory_space<hbm>> -> memref<128x256xf32, #tpu.memory_space<hbm>>
      %dma_wait3A_73 = arith.constant 0 : i32
      %dma_wait3A_74 = tpu.memref_slice %arg4[%add3A_41, %dma_wait3A_73] : memref<16384x256xf32, #tpu.memory_space<hbm>> -> memref<128x256xf32, #tpu.memory_space<hbm>>
      tpu.wait_dma2 semaphore(%run_scoped3A : memref<!tpu.dma_semaphore, #tpu.memory_space<semaphore_mem>>) src(%arg7 : memref<128x256xf32, #tpu.memory_space<vmem>>) dst(%dma_wait3A_74 : memref<128x256xf32, #tpu.memory_space<hbm>>)
      tpu.yield
    }) : () -> ()
    %dma_start3A_42 = arith.constant 3 : i32
    %dma_start3A_43 = arith.constant 0 : i32
    %dma_start3A_44 = tpu.memref_slice %arg5[%dma_start3A_42, %dma_start3A_43] : memref<4x128xi32, #tpu.memory_space<vmem>> -> memref<1x128xi32, #tpu.memory_space<vmem>>
    %dma_start3A_45 = tpu.memref_squeeze %dma_start3A_44 : memref<1x128xi32, #tpu.memory_space<vmem>> -> memref<128xi32, #tpu.memory_space<vmem>>
    %dma_start3A_46 = arith.constant 0 : i32
    %dma_start3A_47 = arith.constant 0 : i32
    %dma_start3A_48 = tpu.memref_slice %arg2[%dma_start3A_46, %dma_start3A_47] : memref<8192x256xf32, #tpu.memory_space<hbm>> -> memref<8192x256xf32, #tpu.memory_space<hbm>>
    tpu.enqueue_indirect_dma source(%dma_start3A_48 : memref<8192x256xf32, #tpu.memory_space<hbm>>) target(%arg7 : memref<128x256xf32, #tpu.memory_space<vmem>>) offsets(%dma_start3A_45 : memref<128xi32, #tpu.memory_space<vmem>>) semaphore(%arg9 : memref<!tpu.dma_semaphore, #tpu.memory_space<semaphore_mem>>)
    %dma_wait3A_49 = arith.constant 2 : i32
    %dma_wait3A_50 = arith.constant 0 : i32
    %dma_wait3A_51 = tpu.memref_slice %arg5[%dma_wait3A_49, %dma_wait3A_50] : memref<4x128xi32, #tpu.memory_space<vmem>> -> memref<1x128xi32, #tpu.memory_space<vmem>>
    %dma_wait3A_52 = tpu.memref_squeeze %dma_wait3A_51 : memref<1x128xi32, #tpu.memory_space<vmem>> -> memref<128xi32, #tpu.memory_space<vmem>>
    %dma_wait3A_53 = arith.constant 0 : i32
    %dma_wait3A_54 = arith.constant 0 : i32
    %dma_wait3A_55 = tpu.memref_slice %arg2[%dma_wait3A_53, %dma_wait3A_54] : memref<8192x256xf32, #tpu.memory_space<hbm>> -> memref<8192x256xf32, #tpu.memory_space<hbm>>
    tpu.wait_indirect_dma semaphore(%arg8 : memref<!tpu.dma_semaphore, #tpu.memory_space<semaphore_mem>>) src(%dma_wait3A_55 : memref<8192x256xf32, #tpu.memory_space<hbm>>) dst(%arg6 : memref<128x256xf32, #tpu.memory_space<vmem>>)
    %add3A_56 = arith.constant 256 : i32
    %add3A_57 = arith.addi %mul3A_2, %add3A_56 : i32
    "tpu.region"() ({
      %run_scoped3A = tpu.sem_alloc : memref<!tpu.dma_semaphore, #tpu.memory_space<semaphore_mem>>
      %dma_start3A_67 = arith.constant 0 : i32
      %dma_start3A_68 = tpu.memref_slice %arg4[%add3A_57, %dma_start3A_67] : memref<16384x256xf32, #tpu.memory_space<hbm>> -> memref<128x256xf32, #tpu.memory_space<hbm>>
      %dma_start3A_69 = arith.constant 0 : i32
      %dma_start3A_70 = tpu.memref_slice %arg4[%add3A_57, %dma_start3A_69] : memref<16384x256xf32, #tpu.memory_space<hbm>> -> memref<128x256xf32, #tpu.memory_space<hbm>>
      tpu.enqueue_dma source(%arg6 : memref<128x256xf32, #tpu.memory_space<vmem>>) target(%dma_start3A_70 : memref<128x256xf32, #tpu.memory_space<hbm>>) target_semaphore(%run_scoped3A : memref<!tpu.dma_semaphore, #tpu.memory_space<semaphore_mem>>)
      %dma_wait3A_71 = arith.constant 0 : i32
      %dma_wait3A_72 = tpu.memref_slice %arg4[%add3A_57, %dma_wait3A_71] : memref<16384x256xf32, #tpu.memory_space<hbm>> -> memref<128x256xf32, #tpu.memory_space<hbm>>
      %dma_wait3A_73 = arith.constant 0 : i32
      %dma_wait3A_74 = tpu.memref_slice %arg4[%add3A_57, %dma_wait3A_73] : memref<16384x256xf32, #tpu.memory_space<hbm>> -> memref<128x256xf32, #tpu.memory_space<hbm>>
      tpu.wait_dma2 semaphore(%run_scoped3A : memref<!tpu.dma_semaphore, #tpu.memory_space<semaphore_mem>>) src(%arg6 : memref<128x256xf32, #tpu.memory_space<vmem>>) dst(%dma_wait3A_74 : memref<128x256xf32, #tpu.memory_space<hbm>>)
      tpu.yield
    }) : () -> ()
    %dma_wait3A_58 = arith.constant 3 : i32
    %dma_wait3A_59 = arith.constant 0 : i32
    %dma_wait3A_60 = tpu.memref_slice %arg5[%dma_wait3A_58, %dma_wait3A_59] : memref<4x128xi32, #tpu.memory_space<vmem>> -> memref<1x128xi32, #tpu.memory_space<vmem>>
    %dma_wait3A_61 = tpu.memref_squeeze %dma_wait3A_60 : memref<1x128xi32, #tpu.memory_space<vmem>> -> memref<128xi32, #tpu.memory_space<vmem>>
    %dma_wait3A_62 = arith.constant 0 : i32
    %dma_wait3A_63 = arith.constant 0 : i32
    %dma_wait3A_64 = tpu.memref_slice %arg2[%dma_wait3A_62, %dma_wait3A_63] : memref<8192x256xf32, #tpu.memory_space<hbm>> -> memref<8192x256xf32, #tpu.memory_space<hbm>>
    tpu.wait_indirect_dma semaphore(%arg9 : memref<!tpu.dma_semaphore, #tpu.memory_space<semaphore_mem>>) src(%dma_wait3A_64 : memref<8192x256xf32, #tpu.memory_space<hbm>>) dst(%arg7 : memref<128x256xf32, #tpu.memory_space<vmem>>)
    %add3A_65 = arith.constant 384 : i32
    %add3A_66 = arith.addi %mul3A_2, %add3A_65 : i32
    "tpu.region"() ({
      %run_scoped3A = tpu.sem_alloc : memref<!tpu.dma_semaphore, #tpu.memory_space<semaphore_mem>>
      %dma_start3A_67 = arith.constant 0 : i32
      %dma_start3A_68 = tpu.memref_slice %arg4[%add3A_66, %dma_start3A_67] : memref<16384x256xf32, #tpu.memory_space<hbm>> -> memref<128x256xf32, #tpu.memory_space<hbm>>
      %dma_start3A_69 = arith.constant 0 : i32
      %dma_start3A_70 = tpu.memref_slice %arg4[%add3A_66, %dma_start3A_69] : memref<16384x256xf32, #tpu.memory_space<hbm>> -> memref<128x256xf32, #tpu.memory_space<hbm>>
      tpu.enqueue_dma source(%arg7 : memref<128x256xf32, #tpu.memory_space<vmem>>) target(%dma_start3A_70 : memref<128x256xf32, #tpu.memory_space<hbm>>) target_semaphore(%run_scoped3A : memref<!tpu.dma_semaphore, #tpu.memory_space<semaphore_mem>>)
      %dma_wait3A_71 = arith.constant 0 : i32
      %dma_wait3A_72 = tpu.memref_slice %arg4[%add3A_66, %dma_wait3A_71] : memref<16384x256xf32, #tpu.memory_space<hbm>> -> memref<128x256xf32, #tpu.memory_space<hbm>>
      %dma_wait3A_73 = arith.constant 0 : i32
      %dma_wait3A_74 = tpu.memref_slice %arg4[%add3A_66, %dma_wait3A_73] : memref<16384x256xf32, #tpu.memory_space<hbm>> -> memref<128x256xf32, #tpu.memory_space<hbm>>
      tpu.wait_dma2 semaphore(%run_scoped3A : memref<!tpu.dma_semaphore, #tpu.memory_space<semaphore_mem>>) src(%arg7 : memref<128x256xf32, #tpu.memory_space<vmem>>) dst(%dma_wait3A_74 : memref<128x256xf32, #tpu.memory_space<hbm>>)
      tpu.yield
    }) : () -> ()
    return
  }
}

module attributes {stable_mosaic.version = 14 : i64} {
  func.func @_st_loss_body(%arg0: i32, %arg1: memref<2048x256xf32, #tpu.memory_space<vmem>>, %arg2: memref<2048x256xf32, #tpu.memory_space<vmem>>, %arg3: memref<2048x256xf32, #tpu.memory_space<vmem>>, %arg4: memref<1x1xf32, #tpu.memory_space<vmem>>, %arg5: memref<1x1xf32, #tpu.memory_space<vmem>>) attributes {dimension_semantics = [#tpu.dimension_semantics<arbitrary>], iteration_bounds = array<i64: 8>, scalar_prefetch = 0 : i64, scratch_operands = 1 : i64, tpu.core_type = #tpu.core_type<tc>, window_params = [{transform_indices = @transform_0, window_bounds = array<i64: 2048, 256>}, {transform_indices = @transform_1, window_bounds = array<i64: 2048, 256>}, {transform_indices = @transform_2, window_bounds = array<i64: 2048, 256>}, {pipeline_mode = #tpu.pipeline_mode<synchronous>, transform_indices = @transform_3, window_bounds = array<i64: 1, 1>}]} {
    %get3A = arith.constant 0 : index
    %get3A_0 = arith.constant 0 : index
    %get3A_1 = vector.load %arg2[%get3A, %get3A_0] : memref<2048x256xf32, #tpu.memory_space<vmem>>, vector<2048x256xf32>
    %get3A_2 = arith.constant 0 : index
    %get3A_3 = arith.constant 0 : index
    %get3A_4 = vector.load %arg1[%get3A_2, %get3A_3] : memref<2048x256xf32, #tpu.memory_space<vmem>>, vector<2048x256xf32>
    %sub3A = arith.subf %get3A_1, %get3A_4 : vector<2048x256xf32>
    %add3A = arith.addf %get3A_4, %sub3A : vector<2048x256xf32>
    %swap3A = arith.constant 0 : index
    %swap3A_5 = arith.constant 0 : index
    %swap3A_6 = vector.load %arg3[%swap3A, %swap3A_5] : memref<2048x256xf32, #tpu.memory_space<vmem>>, vector<2048x256xf32>
    tpu.vector_store %arg3[%swap3A, %swap3A_5], %add3A {strides = array<i32>} : memref<2048x256xf32, #tpu.memory_space<vmem>>, vector<2048x256xf32>,
    %eq3A = arith.constant 0 : i32
    %eq3A_7 = arith.cmpi eq, %arg0, %eq3A : i32
    %convert_element_type3A = arith.extui %eq3A_7 : i1 to i32
    %cond3A = arith.constant 0 : i32
    %cond3A_8 = arith.cmpi ne, %convert_element_type3A, %cond3A : i32
    scf.if %cond3A_8 {
      %broadcast_in_dim3A_25 = arith.constant 0.000000e+00 : f32
      %broadcast_in_dim3A_26 = vector.broadcast %broadcast_in_dim3A_25 : f32 to vector<1x1xf32>
      %swap3A_27 = arith.constant 0 : index
      %swap3A_28 = arith.constant 0 : index
      %swap3A_29 = vector.load %arg5[%swap3A_27, %swap3A_28] : memref<1x1xf32, #tpu.memory_space<vmem>>, vector<1x1xf32>
      tpu.vector_store %arg5[%swap3A_27, %swap3A_28], %broadcast_in_dim3A_26 {strides = array<i32>} : memref<1x1xf32, #tpu.memory_space<vmem>>, vector<1x1xf32>,
    } else {
    }
    %get3A_9 = arith.constant 0 : index
    %get3A_10 = arith.constant 0 : index
    %get3A_11 = vector.load %arg5[%get3A_9, %get3A_10] : memref<1x1xf32, #tpu.memory_space<vmem>>, vector<1x1xf32>
    %mul3A = arith.mulf %sub3A, %sub3A : vector<2048x256xf32>
    %reduce_sum3A = vector.shape_cast %mul3A : vector<2048x256xf32> to vector<1x2048x256xf32>
    %reduce_sum3A_12 = arith.constant dense<0.000000e+00> : vector<1xf32>
    %reduce_sum3A_13 = vector.multi_reduction <add>, %reduce_sum3A, %reduce_sum3A_12 [1, 2] : vector<1x2048x256xf32> to vector<1xf32>
    %reduce_sum3A_14 = vector.shape_cast %reduce_sum3A_13 : vector<1xf32> to vector<1x1x1xf32>
    %reduce_sum3A_15 = vector.extract %reduce_sum3A_14[0, 0, 0] : f32 from vector<1x1x1xf32>
    %broadcast_in_dim3A = vector.broadcast %reduce_sum3A_15 : f32 to vector<1x1xf32>
    %add3A_16 = arith.addf %get3A_11, %broadcast_in_dim3A : vector<1x1xf32>
    %swap3A_17 = arith.constant 0 : index
    %swap3A_18 = arith.constant 0 : index
    %swap3A_19 = vector.load %arg5[%swap3A_17, %swap3A_18] : memref<1x1xf32, #tpu.memory_space<vmem>>, vector<1x1xf32>
    tpu.vector_store %arg5[%swap3A_17, %swap3A_18], %add3A_16 {strides = array<i32>} : memref<1x1xf32, #tpu.memory_space<vmem>>, vector<1x1xf32>,
    %eq3A_20 = arith.constant 7 : i32
    %eq3A_21 = arith.cmpi eq, %arg0, %eq3A_20 : i32
    %convert_element_type3A_22 = arith.extui %eq3A_21 : i1 to i32
    %cond3A_23 = arith.constant 0 : i32
    %cond3A_24 = arith.cmpi ne, %convert_element_type3A_22, %cond3A_23 : i32
    scf.if %cond3A_24 {
      %get3A_25 = arith.constant 0 : index
      %get3A_26 = arith.constant 0 : index
      %get3A_27 = vector.load %arg5[%get3A_25, %get3A_26] : memref<1x1xf32, #tpu.memory_space<vmem>>, vector<1x1xf32>
      %mul3A_28 = arith.constant 3.57627869E-7 : f32
      %mul3A_29 = vector.broadcast %mul3A_28 : f32 to vector<1x1xf32>
      %mul3A_30 = arith.mulf %get3A_27, %mul3A_29 : vector<1x1xf32>
      %swap3A_31 = arith.constant 0 : index
      %swap3A_32 = arith.constant 0 : index
      %swap3A_33 = vector.load %arg4[%swap3A_31, %swap3A_32] : memref<1x1xf32, #tpu.memory_space<vmem>>, vector<1x1xf32>
      tpu.vector_store %arg4[%swap3A_31, %swap3A_32], %mul3A_30 {strides = array<i32>} : memref<1x1xf32, #tpu.memory_space<vmem>>, vector<1x1xf32>,
    } else {
    }
    return
  }
  func.func @transform_0(%arg0: i32) -> (i32, i32) {
    %c0_i32 = arith.constant 0 : i32
    %c0_i32_0 = arith.constant 0 : i32
    return %arg0, %c0_i32 : i32, i32
  }
  func.func @transform_1(%arg0: i32) -> (i32, i32) {
    %c0_i32 = arith.constant 0 : i32
    %c0_i32_0 = arith.constant 0 : i32
    return %arg0, %c0_i32 : i32, i32
  }
  func.func @transform_2(%arg0: i32) -> (i32, i32) {
    %c0_i32 = arith.constant 0 : i32
    %c0_i32_0 = arith.constant 0 : i32
    return %arg0, %c0_i32 : i32, i32
  }
  func.func @transform_3(%arg0: i32) -> (i32, i32) {
    %c0_i32 = arith.constant 0 : i32
    %c0_i32_0 = arith.constant 0 : i32
    %c0_i32_1 = arith.constant 0 : i32
    return %c0_i32, %c0_i32_0 : i32, i32
  }
}

module attributes {stable_mosaic.version = 14 : i64} {
  func.func @_argmin_body(%arg0: i32, %arg1: memref<1x8192xf32, #tpu.memory_space<vmem>>, %arg2: memref<1024x256xf32, #tpu.memory_space<vmem>>, %arg3: memref<8192x256xf32, #tpu.memory_space<vmem>>, %arg4: memref<1024x1xi32, #tpu.memory_space<vmem>>) attributes {dimension_semantics = [#tpu.dimension_semantics<arbitrary>], iteration_bounds = array<i64: 16>, scalar_prefetch = 0 : i64, scratch_operands = 0 : i64, tpu.core_type = #tpu.core_type<tc>, window_params = [{pipeline_mode = #tpu.pipeline_mode<synchronous>, transform_indices = @transform_0, window_bounds = array<i64: 1, 8192>}, {transform_indices = @transform_1, window_bounds = array<i64: 1024, 256>}, {pipeline_mode = #tpu.pipeline_mode<synchronous>, transform_indices = @transform_2, window_bounds = array<i64: 8192, 256>}, {transform_indices = @transform_3, window_bounds = array<i64: 1024, 1>}]} {
    %get3A = arith.constant 0 : index
    %get3A_0 = arith.constant 0 : index
    %get3A_1 = vector.load %arg2[%get3A, %get3A_0] : memref<1024x256xf32, #tpu.memory_space<vmem>>, vector<1024x256xf32>
    %mul3A = arith.constant -2.000000e+00 : f32
    %mul3A_2 = vector.broadcast %mul3A : f32 to vector<1024x256xf32>
    %mul3A_3 = arith.mulf %mul3A_2, %get3A_1 : vector<1024x256xf32>
    %get3A_4 = arith.constant 0 : index
    %get3A_5 = arith.constant 0 : index
    %get3A_6 = vector.load %arg2[%get3A_4, %get3A_5] : memref<1024x256xf32, #tpu.memory_space<vmem>>, vector<1024x256xf32>
    %integer_pow3A = arith.mulf %get3A_6, %get3A_6 : vector<1024x256xf32>
    %reduce_sum3A = arith.constant dense<0.000000e+00> : vector<1024xf32>
    %reduce_sum3A_7 = vector.multi_reduction <add>, %integer_pow3A, %reduce_sum3A [1] : vector<1024x256xf32> to vector<1024xf32>
    %broadcast_in_dim3A = vector.shape_cast %reduce_sum3A_7 : vector<1024xf32> to vector<1024x1xf32>
    %iota3A = tpu.iota {dimensions = array<i32: 1>} : vector<1x128xi32>
    %convert_element_type3A = arith.sitofp %iota3A : vector<1x128xi32> to vector<1x128xf32>
    %get3A_8 = arith.constant 0 : index
    %get3A_9 = arith.constant 0 : index
    %get3A_10 = vector.load %arg3[%get3A_8, %get3A_9] : memref<8192x256xf32, #tpu.memory_space<vmem>>, vector<1024x256xf32>
    %dot_general3A = arith.constant dense<0.000000e+00> : vector<1024x1024xf32>
    %dot_general3A_11 = tpu.matmul %mul3A_3, %get3A_10, %dot_general3A {dimension_numbers = #tpu.dot_dimension_numbers<[1], [1], [0], [0], [0, 0, 1, 0], [], []>, transpose_lhs_hint = false} : vector<1024x256xf32>, vector<1024x256xf32>, vector<1024x1024xf32> -> vector<1024x1024xf32>
    %get3A_12 = arith.constant 0 : index
    %get3A_13 = arith.constant 0 : index
    %get3A_14 = vector.load %arg1[%get3A_12, %get3A_13] : memref<1x8192xf32, #tpu.memory_space<vmem>>, vector<1x128xf32>
    %add3A = vector.broadcast %broadcast_in_dim3A : vector<1024x1xf32> to vector<1024x128xf32>
    %add3A_15 = vector.broadcast %get3A_14 : vector<1x128xf32> to vector<1024x128xf32>
    %add3A_16 = arith.addf %add3A, %add3A_15 : vector<1024x128xf32>
    %slice3A = vector.extract_strided_slice %dot_general3A_11 {offsets = [0, 0], sizes = [1024, 128], strides = [1, 1]} : vector<1024x1024xf32> to vector<1024x128xf32>
    %add3A_17 = arith.addf %add3A_16, %slice3A : vector<1024x128xf32>
    %add3A_18 = arith.constant 0.000000e+00 : f32
    %add3A_19 = vector.broadcast %add3A_18 : f32 to vector<1x128xf32>
    %add3A_20 = arith.addf %convert_element_type3A, %add3A_19 : vector<1x128xf32>
    %get3A_21 = arith.constant 0 : index
    %get3A_22 = arith.constant 128 : index
    %get3A_23 = vector.load %arg1[%get3A_21, %get3A_22] : memref<1x8192xf32, #tpu.memory_space<vmem>>, vector<1x128xf32>
    %add3A_24 = vector.broadcast %broadcast_in_dim3A : vector<1024x1xf32> to vector<1024x128xf32>
    %add3A_25 = vector.broadcast %get3A_23 : vector<1x128xf32> to vector<1024x128xf32>
    %add3A_26 = arith.addf %add3A_24, %add3A_25 : vector<1024x128xf32>
    %slice3A_27 = vector.extract_strided_slice %dot_general3A_11 {offsets = [0, 128], sizes = [1024, 128], strides = [1, 1]} : vector<1024x1024xf32> to vector<1024x128xf32>
    %add3A_28 = arith.addf %add3A_26, %slice3A_27 : vector<1024x128xf32>
    %add3A_29 = arith.constant 1.280000e+02 : f32
    %add3A_30 = vector.broadcast %add3A_29 : f32 to vector<1x128xf32>
    %add3A_31 = arith.addf %convert_element_type3A, %add3A_30 : vector<1x128xf32>
    %get3A_32 = arith.constant 0 : index
    %get3A_33 = arith.constant 256 : index
    %get3A_34 = vector.load %arg1[%get3A_32, %get3A_33] : memref<1x8192xf32, #tpu.memory_space<vmem>>, vector<1x128xf32>
    %add3A_35 = vector.broadcast %broadcast_in_dim3A : vector<1024x1xf32> to vector<1024x128xf32>
    %add3A_36 = vector.broadcast %get3A_34 : vector<1x128xf32> to vector<1024x128xf32>
    %add3A_37 = arith.addf %add3A_35, %add3A_36 : vector<1024x128xf32>
    %slice3A_38 = vector.extract_strided_slice %dot_general3A_11 {offsets = [0, 256], sizes = [1024, 128], strides = [1, 1]} : vector<1024x1024xf32> to vector<1024x128xf32>
    %add3A_39 = arith.addf %add3A_37, %slice3A_38 : vector<1024x128xf32>
    %add3A_40 = arith.constant 2.560000e+02 : f32
    %add3A_41 = vector.broadcast %add3A_40 : f32 to vector<1x128xf32>
    %add3A_42 = arith.addf %convert_element_type3A, %add3A_41 : vector<1x128xf32>
    %get3A_43 = arith.constant 0 : index
    %get3A_44 = arith.constant 384 : index
    %get3A_45 = vector.load %arg1[%get3A_43, %get3A_44] : memref<1x8192xf32, #tpu.memory_space<vmem>>, vector<1x128xf32>
    %add3A_46 = vector.broadcast %broadcast_in_dim3A : vector<1024x1xf32> to vector<1024x128xf32>
    %add3A_47 = vector.broadcast %get3A_45 : vector<1x128xf32> to vector<1024x128xf32>
    %add3A_48 = arith.addf %add3A_46, %add3A_47 : vector<1024x128xf32>
    %slice3A_49 = vector.extract_strided_slice %dot_general3A_11 {offsets = [0, 384], sizes = [1024, 128], strides = [1, 1]} : vector<1024x1024xf32> to vector<1024x128xf32>
    %add3A_50 = arith.addf %add3A_48, %slice3A_49 : vector<1024x128xf32>
    %add3A_51 = arith.constant 3.840000e+02 : f32
    %add3A_52 = vector.broadcast %add3A_51 : f32 to vector<1x128xf32>
    %add3A_53 = arith.addf %convert_element_type3A, %add3A_52 : vector<1x128xf32>
    %get3A_54 = arith.constant 0 : index
    %get3A_55 = arith.constant 512 : index
    %get3A_56 = vector.load %arg1[%get3A_54, %get3A_55] : memref<1x8192xf32, #tpu.memory_space<vmem>>, vector<1x128xf32>
    %add3A_57 = vector.broadcast %broadcast_in_dim3A : vector<1024x1xf32> to vector<1024x128xf32>
    %add3A_58 = vector.broadcast %get3A_56 : vector<1x128xf32> to vector<1024x128xf32>
    %add3A_59 = arith.addf %add3A_57, %add3A_58 : vector<1024x128xf32>
    %slice3A_60 = vector.extract_strided_slice %dot_general3A_11 {offsets = [0, 512], sizes = [1024, 128], strides = [1, 1]} : vector<1024x1024xf32> to vector<1024x128xf32>
    %add3A_61 = arith.addf %add3A_59, %slice3A_60 : vector<1024x128xf32>
    %add3A_62 = arith.constant 5.120000e+02 : f32
    %add3A_63 = vector.broadcast %add3A_62 : f32 to vector<1x128xf32>
    %add3A_64 = arith.addf %convert_element_type3A, %add3A_63 : vector<1x128xf32>
    %get3A_65 = arith.constant 0 : index
    %get3A_66 = arith.constant 640 : index
    %get3A_67 = vector.load %arg1[%get3A_65, %get3A_66] : memref<1x8192xf32, #tpu.memory_space<vmem>>, vector<1x128xf32>
    %add3A_68 = vector.broadcast %broadcast_in_dim3A : vector<1024x1xf32> to vector<1024x128xf32>
    %add3A_69 = vector.broadcast %get3A_67 : vector<1x128xf32> to vector<1024x128xf32>
    %add3A_70 = arith.addf %add3A_68, %add3A_69 : vector<1024x128xf32>
    %slice3A_71 = vector.extract_strided_slice %dot_general3A_11 {offsets = [0, 640], sizes = [1024, 128], strides = [1, 1]} : vector<1024x1024xf32> to vector<1024x128xf32>
    %add3A_72 = arith.addf %add3A_70, %slice3A_71 : vector<1024x128xf32>
    %add3A_73 = arith.constant 6.400000e+02 : f32
    %add3A_74 = vector.broadcast %add3A_73 : f32 to vector<1x128xf32>
    %add3A_75 = arith.addf %convert_element_type3A, %add3A_74 : vector<1x128xf32>
    %get3A_76 = arith.constant 0 : index
    %get3A_77 = arith.constant 768 : index
    %get3A_78 = vector.load %arg1[%get3A_76, %get3A_77] : memref<1x8192xf32, #tpu.memory_space<vmem>>, vector<1x128xf32>
    %add3A_79 = vector.broadcast %broadcast_in_dim3A : vector<1024x1xf32> to vector<1024x128xf32>
    %add3A_80 = vector.broadcast %get3A_78 : vector<1x128xf32> to vector<1024x128xf32>
    %add3A_81 = arith.addf %add3A_79, %add3A_80 : vector<1024x128xf32>
    %slice3A_82 = vector.extract_strided_slice %dot_general3A_11 {offsets = [0, 768], sizes = [1024, 128], strides = [1, 1]} : vector<1024x1024xf32> to vector<1024x128xf32>
    %add3A_83 = arith.addf %add3A_81, %slice3A_82 : vector<1024x128xf32>
    %add3A_84 = arith.constant 7.680000e+02 : f32
    %add3A_85 = vector.broadcast %add3A_84 : f32 to vector<1x128xf32>
    %add3A_86 = arith.addf %convert_element_type3A, %add3A_85 : vector<1x128xf32>
    %get3A_87 = arith.constant 0 : index
    %get3A_88 = arith.constant 896 : index
    %get3A_89 = vector.load %arg1[%get3A_87, %get3A_88] : memref<1x8192xf32, #tpu.memory_space<vmem>>, vector<1x128xf32>
    %add3A_90 = vector.broadcast %broadcast_in_dim3A : vector<1024x1xf32> to vector<1024x128xf32>
    %add3A_91 = vector.broadcast %get3A_89 : vector<1x128xf32> to vector<1024x128xf32>
    %add3A_92 = arith.addf %add3A_90, %add3A_91 : vector<1024x128xf32>
    %slice3A_93 = vector.extract_strided_slice %dot_general3A_11 {offsets = [0, 896], sizes = [1024, 128], strides = [1, 1]} : vector<1024x1024xf32> to vector<1024x128xf32>
    %add3A_94 = arith.addf %add3A_92, %slice3A_93 : vector<1024x128xf32>
    %add3A_95 = arith.constant 8.960000e+02 : f32
    %add3A_96 = vector.broadcast %add3A_95 : f32 to vector<1x128xf32>
    %add3A_97 = arith.addf %convert_element_type3A, %add3A_96 : vector<1x128xf32>
    %lt3A = arith.cmpf olt, %add3A_28, %add3A_17 : vector<1024x128xf32>
    %select_n3A = arith.select %lt3A, %add3A_28, %add3A_17 : vector<1024x128xi1>, vector<1024x128xf32>
    %broadcast_in_dim3A_98 = vector.shape_cast %add3A_31 : vector<1x128xf32> to vector<1x128xf32>
    %broadcast_in_dim3A_99 = vector.broadcast %broadcast_in_dim3A_98 : vector<1x128xf32> to vector<1024x128xf32>
    %broadcast_in_dim3A_100 = vector.shape_cast %add3A_20 : vector<1x128xf32> to vector<1x128xf32>
    %broadcast_in_dim3A_101 = vector.broadcast %broadcast_in_dim3A_100 : vector<1x128xf32> to vector<1024x128xf32>
    %select_n3A_102 = arith.select %lt3A, %broadcast_in_dim3A_99, %broadcast_in_dim3A_101 : vector<1024x128xi1>, vector<1024x128xf32>
    %lt3A_103 = arith.cmpf olt, %add3A_50, %add3A_39 : vector<1024x128xf32>
    %select_n3A_104 = arith.select %lt3A_103, %add3A_50, %add3A_39 : vector<1024x128xi1>, vector<1024x128xf32>
    %broadcast_in_dim3A_105 = vector.shape_cast %add3A_53 : vector<1x128xf32> to vector<1x128xf32>
    %broadcast_in_dim3A_106 = vector.broadcast %broadcast_in_dim3A_105 : vector<1x128xf32> to vector<1024x128xf32>
    %broadcast_in_dim3A_107 = vector.shape_cast %add3A_42 : vector<1x128xf32> to vector<1x128xf32>
    %broadcast_in_dim3A_108 = vector.broadcast %broadcast_in_dim3A_107 : vector<1x128xf32> to vector<1024x128xf32>
    %select_n3A_109 = arith.select %lt3A_103, %broadcast_in_dim3A_106, %broadcast_in_dim3A_108 : vector<1024x128xi1>, vector<1024x128xf32>
    %lt3A_110 = arith.cmpf olt, %add3A_72, %add3A_61 : vector<1024x128xf32>
    %select_n3A_111 = arith.select %lt3A_110, %add3A_72, %add3A_61 : vector<1024x128xi1>, vector<1024x128xf32>
    %broadcast_in_dim3A_112 = vector.shape_cast %add3A_75 : vector<1x128xf32> to vector<1x128xf32>
    %broadcast_in_dim3A_113 = vector.broadcast %broadcast_in_dim3A_112 : vector<1x128xf32> to vector<1024x128xf32>
    %broadcast_in_dim3A_114 = vector.shape_cast %add3A_64 : vector<1x128xf32> to vector<1x128xf32>
    %broadcast_in_dim3A_115 = vector.broadcast %broadcast_in_dim3A_114 : vector<1x128xf32> to vector<1024x128xf32>
    %select_n3A_116 = arith.select %lt3A_110, %broadcast_in_dim3A_113, %broadcast_in_dim3A_115 : vector<1024x128xi1>, vector<1024x128xf32>
    %lt3A_117 = arith.cmpf olt, %add3A_94, %add3A_83 : vector<1024x128xf32>
    %select_n3A_118 = arith.select %lt3A_117, %add3A_94, %add3A_83 : vector<1024x128xi1>, vector<1024x128xf32>
    %broadcast_in_dim3A_119 = vector.shape_cast %add3A_97 : vector<1x128xf32> to vector<1x128xf32>
    %broadcast_in_dim3A_120 = vector.broadcast %broadcast_in_dim3A_119 : vector<1x128xf32> to vector<1024x128xf32>
    %broadcast_in_dim3A_121 = vector.shape_cast %add3A_86 : vector<1x128xf32> to vector<1x128xf32>
    %broadcast_in_dim3A_122 = vector.broadcast %broadcast_in_dim3A_121 : vector<1x128xf32> to vector<1024x128xf32>
    %select_n3A_123 = arith.select %lt3A_117, %broadcast_in_dim3A_120, %broadcast_in_dim3A_122 : vector<1024x128xi1>, vector<1024x128xf32>
    %lt3A_124 = arith.cmpf olt, %select_n3A_104, %select_n3A : vector<1024x128xf32>
    %select_n3A_125 = arith.select %lt3A_124, %select_n3A_104, %select_n3A : vector<1024x128xi1>, vector<1024x128xf32>
    %select_n3A_126 = arith.select %lt3A_124, %select_n3A_109, %select_n3A_102 : vector<1024x128xi1>, vector<1024x128xf32>
    %lt3A_127 = arith.cmpf olt, %select_n3A_118, %select_n3A_111 : vector<1024x128xf32>
    %select_n3A_128 = arith.select %lt3A_127, %select_n3A_118, %select_n3A_111 : vector<1024x128xi1>, vector<1024x128xf32>
    %select_n3A_129 = arith.select %lt3A_127, %select_n3A_123, %select_n3A_116 : vector<1024x128xi1>, vector<1024x128xf32>
    %lt3A_130 = arith.cmpf olt, %select_n3A_128, %select_n3A_125 : vector<1024x128xf32>
    %select_n3A_131 = arith.select %lt3A_130, %select_n3A_128, %select_n3A_125 : vector<1024x128xi1>, vector<1024x128xf32>
    %select_n3A_132 = arith.select %lt3A_130, %select_n3A_129, %select_n3A_126 : vector<1024x128xi1>, vector<1024x128xf32>
    %get3A_133 = arith.constant 1024 : index
    %get3A_134 = arith.constant 0 : index
    %get3A_135 = vector.load %arg3[%get3A_133, %get3A_134] : memref<8192x256xf32, #tpu.memory_space<vmem>>, vector<1024x256xf32>
    %dot_general3A_136 = arith.constant dense<0.000000e+00> : vector<1024x1024xf32>
    %dot_general3A_137 = tpu.matmul %mul3A_3, %get3A_135, %dot_general3A_136 {dimension_numbers = #tpu.dot_dimension_numbers<[1], [1], [0], [0], [0, 0, 1, 0], [], []>, transpose_lhs_hint = false} : vector<1024x256xf32>, vector<1024x256xf32>, vector<1024x1024xf32> -> vector<1024x1024xf32>
    %get3A_138 = arith.constant 0 : index
    %get3A_139 = arith.constant 1024 : index
    %get3A_140 = vector.load %arg1[%get3A_138, %get3A_139] : memref<1x8192xf32, #tpu.memory_space<vmem>>, vector<1x128xf32>
    %add3A_141 = vector.broadcast %broadcast_in_dim3A : vector<1024x1xf32> to vector<1024x128xf32>
    %add3A_142 = vector.broadcast %get3A_140 : vector<1x128xf32> to vector<1024x128xf32>
    %add3A_143 = arith.addf %add3A_141, %add3A_142 : vector<1024x128xf32>
    %slice3A_144 = vector.extract_strided_slice %dot_general3A_137 {offsets = [0, 0], sizes = [1024, 128], strides = [1, 1]} : vector<1024x1024xf32> to vector<1024x128xf32>
    %add3A_145 = arith.addf %add3A_143, %slice3A_144 : vector<1024x128xf32>
    %add3A_146 = arith.constant 1.024000e+03 : f32
    %add3A_147 = vector.broadcast %add3A_146 : f32 to vector<1x128xf32>
    %add3A_148 = arith.addf %convert_element_type3A, %add3A_147 : vector<1x128xf32>
    %get3A_149 = arith.constant 0 : index
    %get3A_150 = arith.constant 1152 : index
    %get3A_151 = vector.load %arg1[%get3A_149, %get3A_150] : memref<1x8192xf32, #tpu.memory_space<vmem>>, vector<1x128xf32>
    %add3A_152 = vector.broadcast %broadcast_in_dim3A : vector<1024x1xf32> to vector<1024x128xf32>
    %add3A_153 = vector.broadcast %get3A_151 : vector<1x128xf32> to vector<1024x128xf32>
    %add3A_154 = arith.addf %add3A_152, %add3A_153 : vector<1024x128xf32>
    %slice3A_155 = vector.extract_strided_slice %dot_general3A_137 {offsets = [0, 128], sizes = [1024, 128], strides = [1, 1]} : vector<1024x1024xf32> to vector<1024x128xf32>
    %add3A_156 = arith.addf %add3A_154, %slice3A_155 : vector<1024x128xf32>
    %add3A_157 = arith.constant 1.152000e+03 : f32
    %add3A_158 = vector.broadcast %add3A_157 : f32 to vector<1x128xf32>
    %add3A_159 = arith.addf %convert_element_type3A, %add3A_158 : vector<1x128xf32>
    %get3A_160 = arith.constant 0 : index
    %get3A_161 = arith.constant 1280 : index
    %get3A_162 = vector.load %arg1[%get3A_160, %get3A_161] : memref<1x8192xf32, #tpu.memory_space<vmem>>, vector<1x128xf32>
    %add3A_163 = vector.broadcast %broadcast_in_dim3A : vector<1024x1xf32> to vector<1024x128xf32>
    %add3A_164 = vector.broadcast %get3A_162 : vector<1x128xf32> to vector<1024x128xf32>
    %add3A_165 = arith.addf %add3A_163, %add3A_164 : vector<1024x128xf32>
    %slice3A_166 = vector.extract_strided_slice %dot_general3A_137 {offsets = [0, 256], sizes = [1024, 128], strides = [1, 1]} : vector<1024x1024xf32> to vector<1024x128xf32>
    %add3A_167 = arith.addf %add3A_165, %slice3A_166 : vector<1024x128xf32>
    %add3A_168 = arith.constant 1.280000e+03 : f32
    %add3A_169 = vector.broadcast %add3A_168 : f32 to vector<1x128xf32>
    %add3A_170 = arith.addf %convert_element_type3A, %add3A_169 : vector<1x128xf32>
    %get3A_171 = arith.constant 0 : index
    %get3A_172 = arith.constant 1408 : index
    %get3A_173 = vector.load %arg1[%get3A_171, %get3A_172] : memref<1x8192xf32, #tpu.memory_space<vmem>>, vector<1x128xf32>
    %add3A_174 = vector.broadcast %broadcast_in_dim3A : vector<1024x1xf32> to vector<1024x128xf32>
    %add3A_175 = vector.broadcast %get3A_173 : vector<1x128xf32> to vector<1024x128xf32>
    %add3A_176 = arith.addf %add3A_174, %add3A_175 : vector<1024x128xf32>
    %slice3A_177 = vector.extract_strided_slice %dot_general3A_137 {offsets = [0, 384], sizes = [1024, 128], strides = [1, 1]} : vector<1024x1024xf32> to vector<1024x128xf32>
    %add3A_178 = arith.addf %add3A_176, %slice3A_177 : vector<1024x128xf32>
    %add3A_179 = arith.constant 1.408000e+03 : f32
    %add3A_180 = vector.broadcast %add3A_179 : f32 to vector<1x128xf32>
    %add3A_181 = arith.addf %convert_element_type3A, %add3A_180 : vector<1x128xf32>
    %get3A_182 = arith.constant 0 : index
    %get3A_183 = arith.constant 1536 : index
    %get3A_184 = vector.load %arg1[%get3A_182, %get3A_183] : memref<1x8192xf32, #tpu.memory_space<vmem>>, vector<1x128xf32>
    %add3A_185 = vector.broadcast %broadcast_in_dim3A : vector<1024x1xf32> to vector<1024x128xf32>
    %add3A_186 = vector.broadcast %get3A_184 : vector<1x128xf32> to vector<1024x128xf32>
    %add3A_187 = arith.addf %add3A_185, %add3A_186 : vector<1024x128xf32>
    %slice3A_188 = vector.extract_strided_slice %dot_general3A_137 {offsets = [0, 512], sizes = [1024, 128], strides = [1, 1]} : vector<1024x1024xf32> to vector<1024x128xf32>
    %add3A_189 = arith.addf %add3A_187, %slice3A_188 : vector<1024x128xf32>
    %add3A_190 = arith.constant 1.536000e+03 : f32
    %add3A_191 = vector.broadcast %add3A_190 : f32 to vector<1x128xf32>
    %add3A_192 = arith.addf %convert_element_type3A, %add3A_191 : vector<1x128xf32>
    %get3A_193 = arith.constant 0 : index
    %get3A_194 = arith.constant 1664 : index
    %get3A_195 = vector.load %arg1[%get3A_193, %get3A_194] : memref<1x8192xf32, #tpu.memory_space<vmem>>, vector<1x128xf32>
    %add3A_196 = vector.broadcast %broadcast_in_dim3A : vector<1024x1xf32> to vector<1024x128xf32>
    %add3A_197 = vector.broadcast %get3A_195 : vector<1x128xf32> to vector<1024x128xf32>
    %add3A_198 = arith.addf %add3A_196, %add3A_197 : vector<1024x128xf32>
    %slice3A_199 = vector.extract_strided_slice %dot_general3A_137 {offsets = [0, 640], sizes = [1024, 128], strides = [1, 1]} : vector<1024x1024xf32> to vector<1024x128xf32>
    %add3A_200 = arith.addf %add3A_198, %slice3A_199 : vector<1024x128xf32>
    %add3A_201 = arith.constant 1.664000e+03 : f32
    %add3A_202 = vector.broadcast %add3A_201 : f32 to vector<1x128xf32>
    %add3A_203 = arith.addf %convert_element_type3A, %add3A_202 : vector<1x128xf32>
    %get3A_204 = arith.constant 0 : index
    %get3A_205 = arith.constant 1792 : index
    %get3A_206 = vector.load %arg1[%get3A_204, %get3A_205] : memref<1x8192xf32, #tpu.memory_space<vmem>>, vector<1x128xf32>
    %add3A_207 = vector.broadcast %broadcast_in_dim3A : vector<1024x1xf32> to vector<1024x128xf32>
    %add3A_208 = vector.broadcast %get3A_206 : vector<1x128xf32> to vector<1024x128xf32>
    %add3A_209 = arith.addf %add3A_207, %add3A_208 : vector<1024x128xf32>
    %slice3A_210 = vector.extract_strided_slice %dot_general3A_137 {offsets = [0, 768], sizes = [1024, 128], strides = [1, 1]} : vector<1024x1024xf32> to vector<1024x128xf32>
    %add3A_211 = arith.addf %add3A_209, %slice3A_210 : vector<1024x128xf32>
    %add3A_212 = arith.constant 1.792000e+03 : f32
    %add3A_213 = vector.broadcast %add3A_212 : f32 to vector<1x128xf32>
    %add3A_214 = arith.addf %convert_element_type3A, %add3A_213 : vector<1x128xf32>
    %get3A_215 = arith.constant 0 : index
    %get3A_216 = arith.constant 1920 : index
    %get3A_217 = vector.load %arg1[%get3A_215, %get3A_216] : memref<1x8192xf32, #tpu.memory_space<vmem>>, vector<1x128xf32>
    %add3A_218 = vector.broadcast %broadcast_in_dim3A : vector<1024x1xf32> to vector<1024x128xf32>
    %add3A_219 = vector.broadcast %get3A_217 : vector<1x128xf32> to vector<1024x128xf32>
    %add3A_220 = arith.addf %add3A_218, %add3A_219 : vector<1024x128xf32>
    %slice3A_221 = vector.extract_strided_slice %dot_general3A_137 {offsets = [0, 896], sizes = [1024, 128], strides = [1, 1]} : vector<1024x1024xf32> to vector<1024x128xf32>
    %add3A_222 = arith.addf %add3A_220, %slice3A_221 : vector<1024x128xf32>
    %add3A_223 = arith.constant 1.920000e+03 : f32
    %add3A_224 = vector.broadcast %add3A_223 : f32 to vector<1x128xf32>
    %add3A_225 = arith.addf %convert_element_type3A, %add3A_224 : vector<1x128xf32>
    %lt3A_226 = arith.cmpf olt, %add3A_156, %add3A_145 : vector<1024x128xf32>
    %select_n3A_227 = arith.select %lt3A_226, %add3A_156, %add3A_145 : vector<1024x128xi1>, vector<1024x128xf32>
    %broadcast_in_dim3A_228 = vector.shape_cast %add3A_159 : vector<1x128xf32> to vector<1x128xf32>
    %broadcast_in_dim3A_229 = vector.broadcast %broadcast_in_dim3A_228 : vector<1x128xf32> to vector<1024x128xf32>
    %broadcast_in_dim3A_230 = vector.shape_cast %add3A_148 : vector<1x128xf32> to vector<1x128xf32>
    %broadcast_in_dim3A_231 = vector.broadcast %broadcast_in_dim3A_230 : vector<1x128xf32> to vector<1024x128xf32>
    %select_n3A_232 = arith.select %lt3A_226, %broadcast_in_dim3A_229, %broadcast_in_dim3A_231 : vector<1024x128xi1>, vector<1024x128xf32>
    %lt3A_233 = arith.cmpf olt, %add3A_178, %add3A_167 : vector<1024x128xf32>
    %select_n3A_234 = arith.select %lt3A_233, %add3A_178, %add3A_167 : vector<1024x128xi1>, vector<1024x128xf32>
    %broadcast_in_dim3A_235 = vector.shape_cast %add3A_181 : vector<1x128xf32> to vector<1x128xf32>
    %broadcast_in_dim3A_236 = vector.broadcast %broadcast_in_dim3A_235 : vector<1x128xf32> to vector<1024x128xf32>
    %broadcast_in_dim3A_237 = vector.shape_cast %add3A_170 : vector<1x128xf32> to vector<1x128xf32>
    %broadcast_in_dim3A_238 = vector.broadcast %broadcast_in_dim3A_237 : vector<1x128xf32> to vector<1024x128xf32>
    %select_n3A_239 = arith.select %lt3A_233, %broadcast_in_dim3A_236, %broadcast_in_dim3A_238 : vector<1024x128xi1>, vector<1024x128xf32>
    %lt3A_240 = arith.cmpf olt, %add3A_200, %add3A_189 : vector<1024x128xf32>
    %select_n3A_241 = arith.select %lt3A_240, %add3A_200, %add3A_189 : vector<1024x128xi1>, vector<1024x128xf32>
    %broadcast_in_dim3A_242 = vector.shape_cast %add3A_203 : vector<1x128xf32> to vector<1x128xf32>
    %broadcast_in_dim3A_243 = vector.broadcast %broadcast_in_dim3A_242 : vector<1x128xf32> to vector<1024x128xf32>
    %broadcast_in_dim3A_244 = vector.shape_cast %add3A_192 : vector<1x128xf32> to vector<1x128xf32>
    %broadcast_in_dim3A_245 = vector.broadcast %broadcast_in_dim3A_244 : vector<1x128xf32> to vector<1024x128xf32>
    %select_n3A_246 = arith.select %lt3A_240, %broadcast_in_dim3A_243, %broadcast_in_dim3A_245 : vector<1024x128xi1>, vector<1024x128xf32>
    %lt3A_247 = arith.cmpf olt, %add3A_222, %add3A_211 : vector<1024x128xf32>
    %select_n3A_248 = arith.select %lt3A_247, %add3A_222, %add3A_211 : vector<1024x128xi1>, vector<1024x128xf32>
    %broadcast_in_dim3A_249 = vector.shape_cast %add3A_225 : vector<1x128xf32> to vector<1x128xf32>
    %broadcast_in_dim3A_250 = vector.broadcast %broadcast_in_dim3A_249 : vector<1x128xf32> to vector<1024x128xf32>
    %broadcast_in_dim3A_251 = vector.shape_cast %add3A_214 : vector<1x128xf32> to vector<1x128xf32>
    %broadcast_in_dim3A_252 = vector.broadcast %broadcast_in_dim3A_251 : vector<1x128xf32> to vector<1024x128xf32>
    %select_n3A_253 = arith.select %lt3A_247, %broadcast_in_dim3A_250, %broadcast_in_dim3A_252 : vector<1024x128xi1>, vector<1024x128xf32>
    %lt3A_254 = arith.cmpf olt, %select_n3A_234, %select_n3A_227 : vector<1024x128xf32>
    %select_n3A_255 = arith.select %lt3A_254, %select_n3A_234, %select_n3A_227 : vector<1024x128xi1>, vector<1024x128xf32>
    %select_n3A_256 = arith.select %lt3A_254, %select_n3A_239, %select_n3A_232 : vector<1024x128xi1>, vector<1024x128xf32>
    %lt3A_257 = arith.cmpf olt, %select_n3A_248, %select_n3A_241 : vector<1024x128xf32>
    %select_n3A_258 = arith.select %lt3A_257, %select_n3A_248, %select_n3A_241 : vector<1024x128xi1>, vector<1024x128xf32>
    %select_n3A_259 = arith.select %lt3A_257, %select_n3A_253, %select_n3A_246 : vector<1024x128xi1>, vector<1024x128xf32>
    %lt3A_260 = arith.cmpf olt, %select_n3A_258, %select_n3A_255 : vector<1024x128xf32>
    %select_n3A_261 = arith.select %lt3A_260, %select_n3A_258, %select_n3A_255 : vector<1024x128xi1>, vector<1024x128xf32>
    %select_n3A_262 = arith.select %lt3A_260, %select_n3A_259, %select_n3A_256 : vector<1024x128xi1>, vector<1024x128xf32>
    %lt3A_263 = arith.cmpf olt, %select_n3A_261, %select_n3A_131 : vector<1024x128xf32>
    %select_n3A_264 = arith.select %lt3A_263, %select_n3A_261, %select_n3A_131 : vector<1024x128xi1>, vector<1024x128xf32>
    %select_n3A_265 = arith.select %lt3A_263, %select_n3A_262, %select_n3A_132 : vector<1024x128xi1>, vector<1024x128xf32>
    %get3A_266 = arith.constant 2048 : index
    %get3A_267 = arith.constant 0 : index
    %get3A_268 = vector.load %arg3[%get3A_266, %get3A_267] : memref<8192x256xf32, #tpu.memory_space<vmem>>, vector<1024x256xf32>
    %dot_general3A_269 = arith.constant dense<0.000000e+00> : vector<1024x1024xf32>
    %dot_general3A_270 = tpu.matmul %mul3A_3, %get3A_268, %dot_general3A_269 {dimension_numbers = #tpu.dot_dimension_numbers<[1], [1], [0], [0], [0, 0, 1, 0], [], []>, transpose_lhs_hint = false} : vector<1024x256xf32>, vector<1024x256xf32>, vector<1024x1024xf32> -> vector<1024x1024xf32>
    %get3A_271 = arith.constant 0 : index
    %get3A_272 = arith.constant 2048 : index
    %get3A_273 = vector.load %arg1[%get3A_271, %get3A_272] : memref<1x8192xf32, #tpu.memory_space<vmem>>, vector<1x128xf32>
    %add3A_274 = vector.broadcast %broadcast_in_dim3A : vector<1024x1xf32> to vector<1024x128xf32>
    %add3A_275 = vector.broadcast %get3A_273 : vector<1x128xf32> to vector<1024x128xf32>
    %add3A_276 = arith.addf %add3A_274, %add3A_275 : vector<1024x128xf32>
    %slice3A_277 = vector.extract_strided_slice %dot_general3A_270 {offsets = [0, 0], sizes = [1024, 128], strides = [1, 1]} : vector<1024x1024xf32> to vector<1024x128xf32>
    %add3A_278 = arith.addf %add3A_276, %slice3A_277 : vector<1024x128xf32>
    %add3A_279 = arith.constant 2.048000e+03 : f32
    %add3A_280 = vector.broadcast %add3A_279 : f32 to vector<1x128xf32>
    %add3A_281 = arith.addf %convert_element_type3A, %add3A_280 : vector<1x128xf32>
    %get3A_282 = arith.constant 0 : index
    %get3A_283 = arith.constant 2176 : index
    %get3A_284 = vector.load %arg1[%get3A_282, %get3A_283] : memref<1x8192xf32, #tpu.memory_space<vmem>>, vector<1x128xf32>
    %add3A_285 = vector.broadcast %broadcast_in_dim3A : vector<1024x1xf32> to vector<1024x128xf32>
    %add3A_286 = vector.broadcast %get3A_284 : vector<1x128xf32> to vector<1024x128xf32>
    %add3A_287 = arith.addf %add3A_285, %add3A_286 : vector<1024x128xf32>
    %slice3A_288 = vector.extract_strided_slice %dot_general3A_270 {offsets = [0, 128], sizes = [1024, 128], strides = [1, 1]} : vector<1024x1024xf32> to vector<1024x128xf32>
    %add3A_289 = arith.addf %add3A_287, %slice3A_288 : vector<1024x128xf32>
    %add3A_290 = arith.constant 2.176000e+03 : f32
    %add3A_291 = vector.broadcast %add3A_290 : f32 to vector<1x128xf32>
    %add3A_292 = arith.addf %convert_element_type3A, %add3A_291 : vector<1x128xf32>
    %get3A_293 = arith.constant 0 : index
    %get3A_294 = arith.constant 2304 : index
    %get3A_295 = vector.load %arg1[%get3A_293, %get3A_294] : memref<1x8192xf32, #tpu.memory_space<vmem>>, vector<1x128xf32>
    %add3A_296 = vector.broadcast %broadcast_in_dim3A : vector<1024x1xf32> to vector<1024x128xf32>
    %add3A_297 = vector.broadcast %get3A_295 : vector<1x128xf32> to vector<1024x128xf32>
    %add3A_298 = arith.addf %add3A_296, %add3A_297 : vector<1024x128xf32>
    %slice3A_299 = vector.extract_strided_slice %dot_general3A_270 {offsets = [0, 256], sizes = [1024, 128], strides = [1, 1]} : vector<1024x1024xf32> to vector<1024x128xf32>
    %add3A_300 = arith.addf %add3A_298, %slice3A_299 : vector<1024x128xf32>
    %add3A_301 = arith.constant 2.304000e+03 : f32
    %add3A_302 = vector.broadcast %add3A_301 : f32 to vector<1x128xf32>
    %add3A_303 = arith.addf %convert_element_type3A, %add3A_302 : vector<1x128xf32>
    %get3A_304 = arith.constant 0 : index
    %get3A_305 = arith.constant 2432 : index
    %get3A_306 = vector.load %arg1[%get3A_304, %get3A_305] : memref<1x8192xf32, #tpu.memory_space<vmem>>, vector<1x128xf32>
    %add3A_307 = vector.broadcast %broadcast_in_dim3A : vector<1024x1xf32> to vector<1024x128xf32>
    %add3A_308 = vector.broadcast %get3A_306 : vector<1x128xf32> to vector<1024x128xf32>
    %add3A_309 = arith.addf %add3A_307, %add3A_308 : vector<1024x128xf32>
    %slice3A_310 = vector.extract_strided_slice %dot_general3A_270 {offsets = [0, 384], sizes = [1024, 128], strides = [1, 1]} : vector<1024x1024xf32> to vector<1024x128xf32>
    %add3A_311 = arith.addf %add3A_309, %slice3A_310 : vector<1024x128xf32>
    %add3A_312 = arith.constant 2.432000e+03 : f32
    %add3A_313 = vector.broadcast %add3A_312 : f32 to vector<1x128xf32>
    %add3A_314 = arith.addf %convert_element_type3A, %add3A_313 : vector<1x128xf32>
    %get3A_315 = arith.constant 0 : index
    %get3A_316 = arith.constant 2560 : index
    %get3A_317 = vector.load %arg1[%get3A_315, %get3A_316] : memref<1x8192xf32, #tpu.memory_space<vmem>>, vector<1x128xf32>
    %add3A_318 = vector.broadcast %broadcast_in_dim3A : vector<1024x1xf32> to vector<1024x128xf32>
    %add3A_319 = vector.broadcast %get3A_317 : vector<1x128xf32> to vector<1024x128xf32>
    %add3A_320 = arith.addf %add3A_318, %add3A_319 : vector<1024x128xf32>
    %slice3A_321 = vector.extract_strided_slice %dot_general3A_270 {offsets = [0, 512], sizes = [1024, 128], strides = [1, 1]} : vector<1024x1024xf32> to vector<1024x128xf32>
    %add3A_322 = arith.addf %add3A_320, %slice3A_321 : vector<1024x128xf32>
    %add3A_323 = arith.constant 2.560000e+03 : f32
    %add3A_324 = vector.broadcast %add3A_323 : f32 to vector<1x128xf32>
    %add3A_325 = arith.addf %convert_element_type3A, %add3A_324 : vector<1x128xf32>
    %get3A_326 = arith.constant 0 : index
    %get3A_327 = arith.constant 2688 : index
    %get3A_328 = vector.load %arg1[%get3A_326, %get3A_327] : memref<1x8192xf32, #tpu.memory_space<vmem>>, vector<1x128xf32>
    %add3A_329 = vector.broadcast %broadcast_in_dim3A : vector<1024x1xf32> to vector<1024x128xf32>
    %add3A_330 = vector.broadcast %get3A_328 : vector<1x128xf32> to vector<1024x128xf32>
    %add3A_331 = arith.addf %add3A_329, %add3A_330 : vector<1024x128xf32>
    %slice3A_332 = vector.extract_strided_slice %dot_general3A_270 {offsets = [0, 640], sizes = [1024, 128], strides = [1, 1]} : vector<1024x1024xf32> to vector<1024x128xf32>
    %add3A_333 = arith.addf %add3A_331, %slice3A_332 : vector<1024x128xf32>
    %add3A_334 = arith.constant 2.688000e+03 : f32
    %add3A_335 = vector.broadcast %add3A_334 : f32 to vector<1x128xf32>
    %add3A_336 = arith.addf %convert_element_type3A, %add3A_335 : vector<1x128xf32>
    %get3A_337 = arith.constant 0 : index
    %get3A_338 = arith.constant 2816 : index
    %get3A_339 = vector.load %arg1[%get3A_337, %get3A_338] : memref<1x8192xf32, #tpu.memory_space<vmem>>, vector<1x128xf32>
    %add3A_340 = vector.broadcast %broadcast_in_dim3A : vector<1024x1xf32> to vector<1024x128xf32>
    %add3A_341 = vector.broadcast %get3A_339 : vector<1x128xf32> to vector<1024x128xf32>
    %add3A_342 = arith.addf %add3A_340, %add3A_341 : vector<1024x128xf32>
    %slice3A_343 = vector.extract_strided_slice %dot_general3A_270 {offsets = [0, 768], sizes = [1024, 128], strides = [1, 1]} : vector<1024x1024xf32> to vector<1024x128xf32>
    %add3A_344 = arith.addf %add3A_342, %slice3A_343 : vector<1024x128xf32>
    %add3A_345 = arith.constant 2.816000e+03 : f32
    %add3A_346 = vector.broadcast %add3A_345 : f32 to vector<1x128xf32>
    %add3A_347 = arith.addf %convert_element_type3A, %add3A_346 : vector<1x128xf32>
    %get3A_348 = arith.constant 0 : index
    %get3A_349 = arith.constant 2944 : index
    %get3A_350 = vector.load %arg1[%get3A_348, %get3A_349] : memref<1x8192xf32, #tpu.memory_space<vmem>>, vector<1x128xf32>
    %add3A_351 = vector.broadcast %broadcast_in_dim3A : vector<1024x1xf32> to vector<1024x128xf32>
    %add3A_352 = vector.broadcast %get3A_350 : vector<1x128xf32> to vector<1024x128xf32>
    %add3A_353 = arith.addf %add3A_351, %add3A_352 : vector<1024x128xf32>
    %slice3A_354 = vector.extract_strided_slice %dot_general3A_270 {offsets = [0, 896], sizes = [1024, 128], strides = [1, 1]} : vector<1024x1024xf32> to vector<1024x128xf32>
    %add3A_355 = arith.addf %add3A_353, %slice3A_354 : vector<1024x128xf32>
    %add3A_356 = arith.constant 2.944000e+03 : f32
    %add3A_357 = vector.broadcast %add3A_356 : f32 to vector<1x128xf32>
    %add3A_358 = arith.addf %convert_element_type3A, %add3A_357 : vector<1x128xf32>
    %lt3A_359 = arith.cmpf olt, %add3A_289, %add3A_278 : vector<1024x128xf32>
    %select_n3A_360 = arith.select %lt3A_359, %add3A_289, %add3A_278 : vector<1024x128xi1>, vector<1024x128xf32>
    %broadcast_in_dim3A_361 = vector.shape_cast %add3A_292 : vector<1x128xf32> to vector<1x128xf32>
    %broadcast_in_dim3A_362 = vector.broadcast %broadcast_in_dim3A_361 : vector<1x128xf32> to vector<1024x128xf32>
    %broadcast_in_dim3A_363 = vector.shape_cast %add3A_281 : vector<1x128xf32> to vector<1x128xf32>
    %broadcast_in_dim3A_364 = vector.broadcast %broadcast_in_dim3A_363 : vector<1x128xf32> to vector<1024x128xf32>
    %select_n3A_365 = arith.select %lt3A_359, %broadcast_in_dim3A_362, %broadcast_in_dim3A_364 : vector<1024x128xi1>, vector<1024x128xf32>
    %lt3A_366 = arith.cmpf olt, %add3A_311, %add3A_300 : vector<1024x128xf32>
    %select_n3A_367 = arith.select %lt3A_366, %add3A_311, %add3A_300 : vector<1024x128xi1>, vector<1024x128xf32>
    %broadcast_in_dim3A_368 = vector.shape_cast %add3A_314 : vector<1x128xf32> to vector<1x128xf32>
    %broadcast_in_dim3A_369 = vector.broadcast %broadcast_in_dim3A_368 : vector<1x128xf32> to vector<1024x128xf32>
    %broadcast_in_dim3A_370 = vector.shape_cast %add3A_303 : vector<1x128xf32> to vector<1x128xf32>
    %broadcast_in_dim3A_371 = vector.broadcast %broadcast_in_dim3A_370 : vector<1x128xf32> to vector<1024x128xf32>
    %select_n3A_372 = arith.select %lt3A_366, %broadcast_in_dim3A_369, %broadcast_in_dim3A_371 : vector<1024x128xi1>, vector<1024x128xf32>
    %lt3A_373 = arith.cmpf olt, %add3A_333, %add3A_322 : vector<1024x128xf32>
    %select_n3A_374 = arith.select %lt3A_373, %add3A_333, %add3A_322 : vector<1024x128xi1>, vector<1024x128xf32>
    %broadcast_in_dim3A_375 = vector.shape_cast %add3A_336 : vector<1x128xf32> to vector<1x128xf32>
    %broadcast_in_dim3A_376 = vector.broadcast %broadcast_in_dim3A_375 : vector<1x128xf32> to vector<1024x128xf32>
    %broadcast_in_dim3A_377 = vector.shape_cast %add3A_325 : vector<1x128xf32> to vector<1x128xf32>
    %broadcast_in_dim3A_378 = vector.broadcast %broadcast_in_dim3A_377 : vector<1x128xf32> to vector<1024x128xf32>
    %select_n3A_379 = arith.select %lt3A_373, %broadcast_in_dim3A_376, %broadcast_in_dim3A_378 : vector<1024x128xi1>, vector<1024x128xf32>
    %lt3A_380 = arith.cmpf olt, %add3A_355, %add3A_344 : vector<1024x128xf32>
    %select_n3A_381 = arith.select %lt3A_380, %add3A_355, %add3A_344 : vector<1024x128xi1>, vector<1024x128xf32>
    %broadcast_in_dim3A_382 = vector.shape_cast %add3A_358 : vector<1x128xf32> to vector<1x128xf32>
    %broadcast_in_dim3A_383 = vector.broadcast %broadcast_in_dim3A_382 : vector<1x128xf32> to vector<1024x128xf32>
    %broadcast_in_dim3A_384 = vector.shape_cast %add3A_347 : vector<1x128xf32> to vector<1x128xf32>
    %broadcast_in_dim3A_385 = vector.broadcast %broadcast_in_dim3A_384 : vector<1x128xf32> to vector<1024x128xf32>
    %select_n3A_386 = arith.select %lt3A_380, %broadcast_in_dim3A_383, %broadcast_in_dim3A_385 : vector<1024x128xi1>, vector<1024x128xf32>
    %lt3A_387 = arith.cmpf olt, %select_n3A_367, %select_n3A_360 : vector<1024x128xf32>
    %select_n3A_388 = arith.select %lt3A_387, %select_n3A_367, %select_n3A_360 : vector<1024x128xi1>, vector<1024x128xf32>
    %select_n3A_389 = arith.select %lt3A_387, %select_n3A_372, %select_n3A_365 : vector<1024x128xi1>, vector<1024x128xf32>
    %lt3A_390 = arith.cmpf olt, %select_n3A_381, %select_n3A_374 : vector<1024x128xf32>
    %select_n3A_391 = arith.select %lt3A_390, %select_n3A_381, %select_n3A_374 : vector<1024x128xi1>, vector<1024x128xf32>
    %select_n3A_392 = arith.select %lt3A_390, %select_n3A_386, %select_n3A_379 : vector<1024x128xi1>, vector<1024x128xf32>
    %lt3A_393 = arith.cmpf olt, %select_n3A_391, %select_n3A_388 : vector<1024x128xf32>
    %select_n3A_394 = arith.select %lt3A_393, %select_n3A_391, %select_n3A_388 : vector<1024x128xi1>, vector<1024x128xf32>
    %select_n3A_395 = arith.select %lt3A_393, %select_n3A_392, %select_n3A_389 : vector<1024x128xi1>, vector<1024x128xf32>
    %lt3A_396 = arith.cmpf olt, %select_n3A_394, %select_n3A_264 : vector<1024x128xf32>
    %select_n3A_397 = arith.select %lt3A_396, %select_n3A_394, %select_n3A_264 : vector<1024x128xi1>, vector<1024x128xf32>
    %select_n3A_398 = arith.select %lt3A_396, %select_n3A_395, %select_n3A_265 : vector<1024x128xi1>, vector<1024x128xf32>
    %get3A_399 = arith.constant 3072 : index
    %get3A_400 = arith.constant 0 : index
    %get3A_401 = vector.load %arg3[%get3A_399, %get3A_400] : memref<8192x256xf32, #tpu.memory_space<vmem>>, vector<1024x256xf32>
    %dot_general3A_402 = arith.constant dense<0.000000e+00> : vector<1024x1024xf32>
    %dot_general3A_403 = tpu.matmul %mul3A_3, %get3A_401, %dot_general3A_402 {dimension_numbers = #tpu.dot_dimension_numbers<[1], [1], [0], [0], [0, 0, 1, 0], [], []>, transpose_lhs_hint = false} : vector<1024x256xf32>, vector<1024x256xf32>, vector<1024x1024xf32> -> vector<1024x1024xf32>
    %get3A_404 = arith.constant 0 : index
    %get3A_405 = arith.constant 3072 : index
    %get3A_406 = vector.load %arg1[%get3A_404, %get3A_405] : memref<1x8192xf32, #tpu.memory_space<vmem>>, vector<1x128xf32>
    %add3A_407 = vector.broadcast %broadcast_in_dim3A : vector<1024x1xf32> to vector<1024x128xf32>
    %add3A_408 = vector.broadcast %get3A_406 : vector<1x128xf32> to vector<1024x128xf32>
    %add3A_409 = arith.addf %add3A_407, %add3A_408 : vector<1024x128xf32>
    %slice3A_410 = vector.extract_strided_slice %dot_general3A_403 {offsets = [0, 0], sizes = [1024, 128], strides = [1, 1]} : vector<1024x1024xf32> to vector<1024x128xf32>
    %add3A_411 = arith.addf %add3A_409, %slice3A_410 : vector<1024x128xf32>
    %add3A_412 = arith.constant 3.072000e+03 : f32
    %add3A_413 = vector.broadcast %add3A_412 : f32 to vector<1x128xf32>
    %add3A_414 = arith.addf %convert_element_type3A, %add3A_413 : vector<1x128xf32>
    %get3A_415 = arith.constant 0 : index
    %get3A_416 = arith.constant 3200 : index
    %get3A_417 = vector.load %arg1[%get3A_415, %get3A_416] : memref<1x8192xf32, #tpu.memory_space<vmem>>, vector<1x128xf32>
    %add3A_418 = vector.broadcast %broadcast_in_dim3A : vector<1024x1xf32> to vector<1024x128xf32>
    %add3A_419 = vector.broadcast %get3A_417 : vector<1x128xf32> to vector<1024x128xf32>
    %add3A_420 = arith.addf %add3A_418, %add3A_419 : vector<1024x128xf32>
    %slice3A_421 = vector.extract_strided_slice %dot_general3A_403 {offsets = [0, 128], sizes = [1024, 128], strides = [1, 1]} : vector<1024x1024xf32> to vector<1024x128xf32>
    %add3A_422 = arith.addf %add3A_420, %slice3A_421 : vector<1024x128xf32>
    %add3A_423 = arith.constant 3.200000e+03 : f32
    %add3A_424 = vector.broadcast %add3A_423 : f32 to vector<1x128xf32>
    %add3A_425 = arith.addf %convert_element_type3A, %add3A_424 : vector<1x128xf32>
    %get3A_426 = arith.constant 0 : index
    %get3A_427 = arith.constant 3328 : index
    %get3A_428 = vector.load %arg1[%get3A_426, %get3A_427] : memref<1x8192xf32, #tpu.memory_space<vmem>>, vector<1x128xf32>
    %add3A_429 = vector.broadcast %broadcast_in_dim3A : vector<1024x1xf32> to vector<1024x128xf32>
    %add3A_430 = vector.broadcast %get3A_428 : vector<1x128xf32> to vector<1024x128xf32>
    %add3A_431 = arith.addf %add3A_429, %add3A_430 : vector<1024x128xf32>
    %slice3A_432 = vector.extract_strided_slice %dot_general3A_403 {offsets = [0, 256], sizes = [1024, 128], strides = [1, 1]} : vector<1024x1024xf32> to vector<1024x128xf32>
    %add3A_433 = arith.addf %add3A_431, %slice3A_432 : vector<1024x128xf32>
    %add3A_434 = arith.constant 3.328000e+03 : f32
    %add3A_435 = vector.broadcast %add3A_434 : f32 to vector<1x128xf32>
    %add3A_436 = arith.addf %convert_element_type3A, %add3A_435 : vector<1x128xf32>
    %get3A_437 = arith.constant 0 : index
    %get3A_438 = arith.constant 3456 : index
    %get3A_439 = vector.load %arg1[%get3A_437, %get3A_438] : memref<1x8192xf32, #tpu.memory_space<vmem>>, vector<1x128xf32>
    %add3A_440 = vector.broadcast %broadcast_in_dim3A : vector<1024x1xf32> to vector<1024x128xf32>
    %add3A_441 = vector.broadcast %get3A_439 : vector<1x128xf32> to vector<1024x128xf32>
    %add3A_442 = arith.addf %add3A_440, %add3A_441 : vector<1024x128xf32>
    %slice3A_443 = vector.extract_strided_slice %dot_general3A_403 {offsets = [0, 384], sizes = [1024, 128], strides = [1, 1]} : vector<1024x1024xf32> to vector<1024x128xf32>
    %add3A_444 = arith.addf %add3A_442, %slice3A_443 : vector<1024x128xf32>
    %add3A_445 = arith.constant 3.456000e+03 : f32
    %add3A_446 = vector.broadcast %add3A_445 : f32 to vector<1x128xf32>
    %add3A_447 = arith.addf %convert_element_type3A, %add3A_446 : vector<1x128xf32>
    %get3A_448 = arith.constant 0 : index
    %get3A_449 = arith.constant 3584 : index
    %get3A_450 = vector.load %arg1[%get3A_448, %get3A_449] : memref<1x8192xf32, #tpu.memory_space<vmem>>, vector<1x128xf32>
    %add3A_451 = vector.broadcast %broadcast_in_dim3A : vector<1024x1xf32> to vector<1024x128xf32>
    %add3A_452 = vector.broadcast %get3A_450 : vector<1x128xf32> to vector<1024x128xf32>
    %add3A_453 = arith.addf %add3A_451, %add3A_452 : vector<1024x128xf32>
    %slice3A_454 = vector.extract_strided_slice %dot_general3A_403 {offsets = [0, 512], sizes = [1024, 128], strides = [1, 1]} : vector<1024x1024xf32> to vector<1024x128xf32>
    %add3A_455 = arith.addf %add3A_453, %slice3A_454 : vector<1024x128xf32>
    %add3A_456 = arith.constant 3.584000e+03 : f32
    %add3A_457 = vector.broadcast %add3A_456 : f32 to vector<1x128xf32>
    %add3A_458 = arith.addf %convert_element_type3A, %add3A_457 : vector<1x128xf32>
    %get3A_459 = arith.constant 0 : index
    %get3A_460 = arith.constant 3712 : index
    %get3A_461 = vector.load %arg1[%get3A_459, %get3A_460] : memref<1x8192xf32, #tpu.memory_space<vmem>>, vector<1x128xf32>
    %add3A_462 = vector.broadcast %broadcast_in_dim3A : vector<1024x1xf32> to vector<1024x128xf32>
    %add3A_463 = vector.broadcast %get3A_461 : vector<1x128xf32> to vector<1024x128xf32>
    %add3A_464 = arith.addf %add3A_462, %add3A_463 : vector<1024x128xf32>
    %slice3A_465 = vector.extract_strided_slice %dot_general3A_403 {offsets = [0, 640], sizes = [1024, 128], strides = [1, 1]} : vector<1024x1024xf32> to vector<1024x128xf32>
    %add3A_466 = arith.addf %add3A_464, %slice3A_465 : vector<1024x128xf32>
    %add3A_467 = arith.constant 3.712000e+03 : f32
    %add3A_468 = vector.broadcast %add3A_467 : f32 to vector<1x128xf32>
    %add3A_469 = arith.addf %convert_element_type3A, %add3A_468 : vector<1x128xf32>
    %get3A_470 = arith.constant 0 : index
    %get3A_471 = arith.constant 3840 : index
    %get3A_472 = vector.load %arg1[%get3A_470, %get3A_471] : memref<1x8192xf32, #tpu.memory_space<vmem>>, vector<1x128xf32>
    %add3A_473 = vector.broadcast %broadcast_in_dim3A : vector<1024x1xf32> to vector<1024x128xf32>
    %add3A_474 = vector.broadcast %get3A_472 : vector<1x128xf32> to vector<1024x128xf32>
    %add3A_475 = arith.addf %add3A_473, %add3A_474 : vector<1024x128xf32>
    %slice3A_476 = vector.extract_strided_slice %dot_general3A_403 {offsets = [0, 768], sizes = [1024, 128], strides = [1, 1]} : vector<1024x1024xf32> to vector<1024x128xf32>
    %add3A_477 = arith.addf %add3A_475, %slice3A_476 : vector<1024x128xf32>
    %add3A_478 = arith.constant 3.840000e+03 : f32
    %add3A_479 = vector.broadcast %add3A_478 : f32 to vector<1x128xf32>
    %add3A_480 = arith.addf %convert_element_type3A, %add3A_479 : vector<1x128xf32>
    %get3A_481 = arith.constant 0 : index
    %get3A_482 = arith.constant 3968 : index
    %get3A_483 = vector.load %arg1[%get3A_481, %get3A_482] : memref<1x8192xf32, #tpu.memory_space<vmem>>, vector<1x128xf32>
    %add3A_484 = vector.broadcast %broadcast_in_dim3A : vector<1024x1xf32> to vector<1024x128xf32>
    %add3A_485 = vector.broadcast %get3A_483 : vector<1x128xf32> to vector<1024x128xf32>
    %add3A_486 = arith.addf %add3A_484, %add3A_485 : vector<1024x128xf32>
    %slice3A_487 = vector.extract_strided_slice %dot_general3A_403 {offsets = [0, 896], sizes = [1024, 128], strides = [1, 1]} : vector<1024x1024xf32> to vector<1024x128xf32>
    %add3A_488 = arith.addf %add3A_486, %slice3A_487 : vector<1024x128xf32>
    %add3A_489 = arith.constant 3.968000e+03 : f32
    %add3A_490 = vector.broadcast %add3A_489 : f32 to vector<1x128xf32>
    %add3A_491 = arith.addf %convert_element_type3A, %add3A_490 : vector<1x128xf32>
    %lt3A_492 = arith.cmpf olt, %add3A_422, %add3A_411 : vector<1024x128xf32>
    %select_n3A_493 = arith.select %lt3A_492, %add3A_422, %add3A_411 : vector<1024x128xi1>, vector<1024x128xf32>
    %broadcast_in_dim3A_494 = vector.shape_cast %add3A_425 : vector<1x128xf32> to vector<1x128xf32>
    %broadcast_in_dim3A_495 = vector.broadcast %broadcast_in_dim3A_494 : vector<1x128xf32> to vector<1024x128xf32>
    %broadcast_in_dim3A_496 = vector.shape_cast %add3A_414 : vector<1x128xf32> to vector<1x128xf32>
    %broadcast_in_dim3A_497 = vector.broadcast %broadcast_in_dim3A_496 : vector<1x128xf32> to vector<1024x128xf32>
    %select_n3A_498 = arith.select %lt3A_492, %broadcast_in_dim3A_495, %broadcast_in_dim3A_497 : vector<1024x128xi1>, vector<1024x128xf32>
    %lt3A_499 = arith.cmpf olt, %add3A_444, %add3A_433 : vector<1024x128xf32>
    %select_n3A_500 = arith.select %lt3A_499, %add3A_444, %add3A_433 : vector<1024x128xi1>, vector<1024x128xf32>
    %broadcast_in_dim3A_501 = vector.shape_cast %add3A_447 : vector<1x128xf32> to vector<1x128xf32>
    %broadcast_in_dim3A_502 = vector.broadcast %broadcast_in_dim3A_501 : vector<1x128xf32> to vector<1024x128xf32>
    %broadcast_in_dim3A_503 = vector.shape_cast %add3A_436 : vector<1x128xf32> to vector<1x128xf32>
    %broadcast_in_dim3A_504 = vector.broadcast %broadcast_in_dim3A_503 : vector<1x128xf32> to vector<1024x128xf32>
    %select_n3A_505 = arith.select %lt3A_499, %broadcast_in_dim3A_502, %broadcast_in_dim3A_504 : vector<1024x128xi1>, vector<1024x128xf32>
    %lt3A_506 = arith.cmpf olt, %add3A_466, %add3A_455 : vector<1024x128xf32>
    %select_n3A_507 = arith.select %lt3A_506, %add3A_466, %add3A_455 : vector<1024x128xi1>, vector<1024x128xf32>
    %broadcast_in_dim3A_508 = vector.shape_cast %add3A_469 : vector<1x128xf32> to vector<1x128xf32>
    %broadcast_in_dim3A_509 = vector.broadcast %broadcast_in_dim3A_508 : vector<1x128xf32> to vector<1024x128xf32>
    %broadcast_in_dim3A_510 = vector.shape_cast %add3A_458 : vector<1x128xf32> to vector<1x128xf32>
    %broadcast_in_dim3A_511 = vector.broadcast %broadcast_in_dim3A_510 : vector<1x128xf32> to vector<1024x128xf32>
    %select_n3A_512 = arith.select %lt3A_506, %broadcast_in_dim3A_509, %broadcast_in_dim3A_511 : vector<1024x128xi1>, vector<1024x128xf32>
    %lt3A_513 = arith.cmpf olt, %add3A_488, %add3A_477 : vector<1024x128xf32>
    %select_n3A_514 = arith.select %lt3A_513, %add3A_488, %add3A_477 : vector<1024x128xi1>, vector<1024x128xf32>
    %broadcast_in_dim3A_515 = vector.shape_cast %add3A_491 : vector<1x128xf32> to vector<1x128xf32>
    %broadcast_in_dim3A_516 = vector.broadcast %broadcast_in_dim3A_515 : vector<1x128xf32> to vector<1024x128xf32>
    %broadcast_in_dim3A_517 = vector.shape_cast %add3A_480 : vector<1x128xf32> to vector<1x128xf32>
    %broadcast_in_dim3A_518 = vector.broadcast %broadcast_in_dim3A_517 : vector<1x128xf32> to vector<1024x128xf32>
    %select_n3A_519 = arith.select %lt3A_513, %broadcast_in_dim3A_516, %broadcast_in_dim3A_518 : vector<1024x128xi1>, vector<1024x128xf32>
    %lt3A_520 = arith.cmpf olt, %select_n3A_500, %select_n3A_493 : vector<1024x128xf32>
    %select_n3A_521 = arith.select %lt3A_520, %select_n3A_500, %select_n3A_493 : vector<1024x128xi1>, vector<1024x128xf32>
    %select_n3A_522 = arith.select %lt3A_520, %select_n3A_505, %select_n3A_498 : vector<1024x128xi1>, vector<1024x128xf32>
    %lt3A_523 = arith.cmpf olt, %select_n3A_514, %select_n3A_507 : vector<1024x128xf32>
    %select_n3A_524 = arith.select %lt3A_523, %select_n3A_514, %select_n3A_507 : vector<1024x128xi1>, vector<1024x128xf32>
    %select_n3A_525 = arith.select %lt3A_523, %select_n3A_519, %select_n3A_512 : vector<1024x128xi1>, vector<1024x128xf32>
    %lt3A_526 = arith.cmpf olt, %select_n3A_524, %select_n3A_521 : vector<1024x128xf32>
    %select_n3A_527 = arith.select %lt3A_526, %select_n3A_524, %select_n3A_521 : vector<1024x128xi1>, vector<1024x128xf32>
    %select_n3A_528 = arith.select %lt3A_526, %select_n3A_525, %select_n3A_522 : vector<1024x128xi1>, vector<1024x128xf32>
    %lt3A_529 = arith.cmpf olt, %select_n3A_527, %select_n3A_397 : vector<1024x128xf32>
    %select_n3A_530 = arith.select %lt3A_529, %select_n3A_527, %select_n3A_397 : vector<1024x128xi1>, vector<1024x128xf32>
    %select_n3A_531 = arith.select %lt3A_529, %select_n3A_528, %select_n3A_398 : vector<1024x128xi1>, vector<1024x128xf32>
    %get3A_532 = arith.constant 4096 : index
    %get3A_533 = arith.constant 0 : index
    %get3A_534 = vector.load %arg3[%get3A_532, %get3A_533] : memref<8192x256xf32, #tpu.memory_space<vmem>>, vector<1024x256xf32>
    %dot_general3A_535 = arith.constant dense<0.000000e+00> : vector<1024x1024xf32>
    %dot_general3A_536 = tpu.matmul %mul3A_3, %get3A_534, %dot_general3A_535 {dimension_numbers = #tpu.dot_dimension_numbers<[1], [1], [0], [0], [0, 0, 1, 0], [], []>, transpose_lhs_hint = false} : vector<1024x256xf32>, vector<1024x256xf32>, vector<1024x1024xf32> -> vector<1024x1024xf32>
    %get3A_537 = arith.constant 0 : index
    %get3A_538 = arith.constant 4096 : index
    %get3A_539 = vector.load %arg1[%get3A_537, %get3A_538] : memref<1x8192xf32, #tpu.memory_space<vmem>>, vector<1x128xf32>
    %add3A_540 = vector.broadcast %broadcast_in_dim3A : vector<1024x1xf32> to vector<1024x128xf32>
    %add3A_541 = vector.broadcast %get3A_539 : vector<1x128xf32> to vector<1024x128xf32>
    %add3A_542 = arith.addf %add3A_540, %add3A_541 : vector<1024x128xf32>
    %slice3A_543 = vector.extract_strided_slice %dot_general3A_536 {offsets = [0, 0], sizes = [1024, 128], strides = [1, 1]} : vector<1024x1024xf32> to vector<1024x128xf32>
    %add3A_544 = arith.addf %add3A_542, %slice3A_543 : vector<1024x128xf32>
    %add3A_545 = arith.constant 4.096000e+03 : f32
    %add3A_546 = vector.broadcast %add3A_545 : f32 to vector<1x128xf32>
    %add3A_547 = arith.addf %convert_element_type3A, %add3A_546 : vector<1x128xf32>
    %get3A_548 = arith.constant 0 : index
    %get3A_549 = arith.constant 4224 : index
    %get3A_550 = vector.load %arg1[%get3A_548, %get3A_549] : memref<1x8192xf32, #tpu.memory_space<vmem>>, vector<1x128xf32>
    %add3A_551 = vector.broadcast %broadcast_in_dim3A : vector<1024x1xf32> to vector<1024x128xf32>
    %add3A_552 = vector.broadcast %get3A_550 : vector<1x128xf32> to vector<1024x128xf32>
    %add3A_553 = arith.addf %add3A_551, %add3A_552 : vector<1024x128xf32>
    %slice3A_554 = vector.extract_strided_slice %dot_general3A_536 {offsets = [0, 128], sizes = [1024, 128], strides = [1, 1]} : vector<1024x1024xf32> to vector<1024x128xf32>
    %add3A_555 = arith.addf %add3A_553, %slice3A_554 : vector<1024x128xf32>
    %add3A_556 = arith.constant 4.224000e+03 : f32
    %add3A_557 = vector.broadcast %add3A_556 : f32 to vector<1x128xf32>
    %add3A_558 = arith.addf %convert_element_type3A, %add3A_557 : vector<1x128xf32>
    %get3A_559 = arith.constant 0 : index
    %get3A_560 = arith.constant 4352 : index
    %get3A_561 = vector.load %arg1[%get3A_559, %get3A_560] : memref<1x8192xf32, #tpu.memory_space<vmem>>, vector<1x128xf32>
    %add3A_562 = vector.broadcast %broadcast_in_dim3A : vector<1024x1xf32> to vector<1024x128xf32>
    %add3A_563 = vector.broadcast %get3A_561 : vector<1x128xf32> to vector<1024x128xf32>
    %add3A_564 = arith.addf %add3A_562, %add3A_563 : vector<1024x128xf32>
    %slice3A_565 = vector.extract_strided_slice %dot_general3A_536 {offsets = [0, 256], sizes = [1024, 128], strides = [1, 1]} : vector<1024x1024xf32> to vector<1024x128xf32>
    %add3A_566 = arith.addf %add3A_564, %slice3A_565 : vector<1024x128xf32>
    %add3A_567 = arith.constant 4.352000e+03 : f32
    %add3A_568 = vector.broadcast %add3A_567 : f32 to vector<1x128xf32>
    %add3A_569 = arith.addf %convert_element_type3A, %add3A_568 : vector<1x128xf32>
    %get3A_570 = arith.constant 0 : index
    %get3A_571 = arith.constant 4480 : index
    %get3A_572 = vector.load %arg1[%get3A_570, %get3A_571] : memref<1x8192xf32, #tpu.memory_space<vmem>>, vector<1x128xf32>
    %add3A_573 = vector.broadcast %broadcast_in_dim3A : vector<1024x1xf32> to vector<1024x128xf32>
    %add3A_574 = vector.broadcast %get3A_572 : vector<1x128xf32> to vector<1024x128xf32>
    %add3A_575 = arith.addf %add3A_573, %add3A_574 : vector<1024x128xf32>
    %slice3A_576 = vector.extract_strided_slice %dot_general3A_536 {offsets = [0, 384], sizes = [1024, 128], strides = [1, 1]} : vector<1024x1024xf32> to vector<1024x128xf32>
    %add3A_577 = arith.addf %add3A_575, %slice3A_576 : vector<1024x128xf32>
    %add3A_578 = arith.constant 4.480000e+03 : f32
    %add3A_579 = vector.broadcast %add3A_578 : f32 to vector<1x128xf32>
    %add3A_580 = arith.addf %convert_element_type3A, %add3A_579 : vector<1x128xf32>
    %get3A_581 = arith.constant 0 : index
    %get3A_582 = arith.constant 4608 : index
    %get3A_583 = vector.load %arg1[%get3A_581, %get3A_582] : memref<1x8192xf32, #tpu.memory_space<vmem>>, vector<1x128xf32>
    %add3A_584 = vector.broadcast %broadcast_in_dim3A : vector<1024x1xf32> to vector<1024x128xf32>
    %add3A_585 = vector.broadcast %get3A_583 : vector<1x128xf32> to vector<1024x128xf32>
    %add3A_586 = arith.addf %add3A_584, %add3A_585 : vector<1024x128xf32>
    %slice3A_587 = vector.extract_strided_slice %dot_general3A_536 {offsets = [0, 512], sizes = [1024, 128], strides = [1, 1]} : vector<1024x1024xf32> to vector<1024x128xf32>
    %add3A_588 = arith.addf %add3A_586, %slice3A_587 : vector<1024x128xf32>
    %add3A_589 = arith.constant 4.608000e+03 : f32
    %add3A_590 = vector.broadcast %add3A_589 : f32 to vector<1x128xf32>
    %add3A_591 = arith.addf %convert_element_type3A, %add3A_590 : vector<1x128xf32>
    %get3A_592 = arith.constant 0 : index
    %get3A_593 = arith.constant 4736 : index
    %get3A_594 = vector.load %arg1[%get3A_592, %get3A_593] : memref<1x8192xf32, #tpu.memory_space<vmem>>, vector<1x128xf32>
    %add3A_595 = vector.broadcast %broadcast_in_dim3A : vector<1024x1xf32> to vector<1024x128xf32>
    %add3A_596 = vector.broadcast %get3A_594 : vector<1x128xf32> to vector<1024x128xf32>
    %add3A_597 = arith.addf %add3A_595, %add3A_596 : vector<1024x128xf32>
    %slice3A_598 = vector.extract_strided_slice %dot_general3A_536 {offsets = [0, 640], sizes = [1024, 128], strides = [1, 1]} : vector<1024x1024xf32> to vector<1024x128xf32>
    %add3A_599 = arith.addf %add3A_597, %slice3A_598 : vector<1024x128xf32>
    %add3A_600 = arith.constant 4.736000e+03 : f32
    %add3A_601 = vector.broadcast %add3A_600 : f32 to vector<1x128xf32>
    %add3A_602 = arith.addf %convert_element_type3A, %add3A_601 : vector<1x128xf32>
    %get3A_603 = arith.constant 0 : index
    %get3A_604 = arith.constant 4864 : index
    %get3A_605 = vector.load %arg1[%get3A_603, %get3A_604] : memref<1x8192xf32, #tpu.memory_space<vmem>>, vector<1x128xf32>
    %add3A_606 = vector.broadcast %broadcast_in_dim3A : vector<1024x1xf32> to vector<1024x128xf32>
    %add3A_607 = vector.broadcast %get3A_605 : vector<1x128xf32> to vector<1024x128xf32>
    %add3A_608 = arith.addf %add3A_606, %add3A_607 : vector<1024x128xf32>
    %slice3A_609 = vector.extract_strided_slice %dot_general3A_536 {offsets = [0, 768], sizes = [1024, 128], strides = [1, 1]} : vector<1024x1024xf32> to vector<1024x128xf32>
    %add3A_610 = arith.addf %add3A_608, %slice3A_609 : vector<1024x128xf32>
    %add3A_611 = arith.constant 4.864000e+03 : f32
    %add3A_612 = vector.broadcast %add3A_611 : f32 to vector<1x128xf32>
    %add3A_613 = arith.addf %convert_element_type3A, %add3A_612 : vector<1x128xf32>
    %get3A_614 = arith.constant 0 : index
    %get3A_615 = arith.constant 4992 : index
    %get3A_616 = vector.load %arg1[%get3A_614, %get3A_615] : memref<1x8192xf32, #tpu.memory_space<vmem>>, vector<1x128xf32>
    %add3A_617 = vector.broadcast %broadcast_in_dim3A : vector<1024x1xf32> to vector<1024x128xf32>
    %add3A_618 = vector.broadcast %get3A_616 : vector<1x128xf32> to vector<1024x128xf32>
    %add3A_619 = arith.addf %add3A_617, %add3A_618 : vector<1024x128xf32>
    %slice3A_620 = vector.extract_strided_slice %dot_general3A_536 {offsets = [0, 896], sizes = [1024, 128], strides = [1, 1]} : vector<1024x1024xf32> to vector<1024x128xf32>
    %add3A_621 = arith.addf %add3A_619, %slice3A_620 : vector<1024x128xf32>
    %add3A_622 = arith.constant 4.992000e+03 : f32
    %add3A_623 = vector.broadcast %add3A_622 : f32 to vector<1x128xf32>
    %add3A_624 = arith.addf %convert_element_type3A, %add3A_623 : vector<1x128xf32>
    %lt3A_625 = arith.cmpf olt, %add3A_555, %add3A_544 : vector<1024x128xf32>
    %select_n3A_626 = arith.select %lt3A_625, %add3A_555, %add3A_544 : vector<1024x128xi1>, vector<1024x128xf32>
    %broadcast_in_dim3A_627 = vector.shape_cast %add3A_558 : vector<1x128xf32> to vector<1x128xf32>
    %broadcast_in_dim3A_628 = vector.broadcast %broadcast_in_dim3A_627 : vector<1x128xf32> to vector<1024x128xf32>
    %broadcast_in_dim3A_629 = vector.shape_cast %add3A_547 : vector<1x128xf32> to vector<1x128xf32>
    %broadcast_in_dim3A_630 = vector.broadcast %broadcast_in_dim3A_629 : vector<1x128xf32> to vector<1024x128xf32>
    %select_n3A_631 = arith.select %lt3A_625, %broadcast_in_dim3A_628, %broadcast_in_dim3A_630 : vector<1024x128xi1>, vector<1024x128xf32>
    %lt3A_632 = arith.cmpf olt, %add3A_577, %add3A_566 : vector<1024x128xf32>
    %select_n3A_633 = arith.select %lt3A_632, %add3A_577, %add3A_566 : vector<1024x128xi1>, vector<1024x128xf32>
    %broadcast_in_dim3A_634 = vector.shape_cast %add3A_580 : vector<1x128xf32> to vector<1x128xf32>
    %broadcast_in_dim3A_635 = vector.broadcast %broadcast_in_dim3A_634 : vector<1x128xf32> to vector<1024x128xf32>
    %broadcast_in_dim3A_636 = vector.shape_cast %add3A_569 : vector<1x128xf32> to vector<1x128xf32>
    %broadcast_in_dim3A_637 = vector.broadcast %broadcast_in_dim3A_636 : vector<1x128xf32> to vector<1024x128xf32>
    %select_n3A_638 = arith.select %lt3A_632, %broadcast_in_dim3A_635, %broadcast_in_dim3A_637 : vector<1024x128xi1>, vector<1024x128xf32>
    %lt3A_639 = arith.cmpf olt, %add3A_599, %add3A_588 : vector<1024x128xf32>
    %select_n3A_640 = arith.select %lt3A_639, %add3A_599, %add3A_588 : vector<1024x128xi1>, vector<1024x128xf32>
    %broadcast_in_dim3A_641 = vector.shape_cast %add3A_602 : vector<1x128xf32> to vector<1x128xf32>
    %broadcast_in_dim3A_642 = vector.broadcast %broadcast_in_dim3A_641 : vector<1x128xf32> to vector<1024x128xf32>
    %broadcast_in_dim3A_643 = vector.shape_cast %add3A_591 : vector<1x128xf32> to vector<1x128xf32>
    %broadcast_in_dim3A_644 = vector.broadcast %broadcast_in_dim3A_643 : vector<1x128xf32> to vector<1024x128xf32>
    %select_n3A_645 = arith.select %lt3A_639, %broadcast_in_dim3A_642, %broadcast_in_dim3A_644 : vector<1024x128xi1>, vector<1024x128xf32>
    %lt3A_646 = arith.cmpf olt, %add3A_621, %add3A_610 : vector<1024x128xf32>
    %select_n3A_647 = arith.select %lt3A_646, %add3A_621, %add3A_610 : vector<1024x128xi1>, vector<1024x128xf32>
    %broadcast_in_dim3A_648 = vector.shape_cast %add3A_624 : vector<1x128xf32> to vector<1x128xf32>
    %broadcast_in_dim3A_649 = vector.broadcast %broadcast_in_dim3A_648 : vector<1x128xf32> to vector<1024x128xf32>
    %broadcast_in_dim3A_650 = vector.shape_cast %add3A_613 : vector<1x128xf32> to vector<1x128xf32>
    %broadcast_in_dim3A_651 = vector.broadcast %broadcast_in_dim3A_650 : vector<1x128xf32> to vector<1024x128xf32>
    %select_n3A_652 = arith.select %lt3A_646, %broadcast_in_dim3A_649, %broadcast_in_dim3A_651 : vector<1024x128xi1>, vector<1024x128xf32>
    %lt3A_653 = arith.cmpf olt, %select_n3A_633, %select_n3A_626 : vector<1024x128xf32>
    %select_n3A_654 = arith.select %lt3A_653, %select_n3A_633, %select_n3A_626 : vector<1024x128xi1>, vector<1024x128xf32>
    %select_n3A_655 = arith.select %lt3A_653, %select_n3A_638, %select_n3A_631 : vector<1024x128xi1>, vector<1024x128xf32>
    %lt3A_656 = arith.cmpf olt, %select_n3A_647, %select_n3A_640 : vector<1024x128xf32>
    %select_n3A_657 = arith.select %lt3A_656, %select_n3A_647, %select_n3A_640 : vector<1024x128xi1>, vector<1024x128xf32>
    %select_n3A_658 = arith.select %lt3A_656, %select_n3A_652, %select_n3A_645 : vector<1024x128xi1>, vector<1024x128xf32>
    %lt3A_659 = arith.cmpf olt, %select_n3A_657, %select_n3A_654 : vector<1024x128xf32>
    %select_n3A_660 = arith.select %lt3A_659, %select_n3A_657, %select_n3A_654 : vector<1024x128xi1>, vector<1024x128xf32>
    %select_n3A_661 = arith.select %lt3A_659, %select_n3A_658, %select_n3A_655 : vector<1024x128xi1>, vector<1024x128xf32>
    %lt3A_662 = arith.cmpf olt, %select_n3A_660, %select_n3A_530 : vector<1024x128xf32>
    %select_n3A_663 = arith.select %lt3A_662, %select_n3A_660, %select_n3A_530 : vector<1024x128xi1>, vector<1024x128xf32>
    %select_n3A_664 = arith.select %lt3A_662, %select_n3A_661, %select_n3A_531 : vector<1024x128xi1>, vector<1024x128xf32>
    %get3A_665 = arith.constant 5120 : index
    %get3A_666 = arith.constant 0 : index
    %get3A_667 = vector.load %arg3[%get3A_665, %get3A_666] : memref<8192x256xf32, #tpu.memory_space<vmem>>, vector<1024x256xf32>
    %dot_general3A_668 = arith.constant dense<0.000000e+00> : vector<1024x1024xf32>
    %dot_general3A_669 = tpu.matmul %mul3A_3, %get3A_667, %dot_general3A_668 {dimension_numbers = #tpu.dot_dimension_numbers<[1], [1], [0], [0], [0, 0, 1, 0], [], []>, transpose_lhs_hint = false} : vector<1024x256xf32>, vector<1024x256xf32>, vector<1024x1024xf32> -> vector<1024x1024xf32>
    %get3A_670 = arith.constant 0 : index
    %get3A_671 = arith.constant 5120 : index
    %get3A_672 = vector.load %arg1[%get3A_670, %get3A_671] : memref<1x8192xf32, #tpu.memory_space<vmem>>, vector<1x128xf32>
    %add3A_673 = vector.broadcast %broadcast_in_dim3A : vector<1024x1xf32> to vector<1024x128xf32>
    %add3A_674 = vector.broadcast %get3A_672 : vector<1x128xf32> to vector<1024x128xf32>
    %add3A_675 = arith.addf %add3A_673, %add3A_674 : vector<1024x128xf32>
    %slice3A_676 = vector.extract_strided_slice %dot_general3A_669 {offsets = [0, 0], sizes = [1024, 128], strides = [1, 1]} : vector<1024x1024xf32> to vector<1024x128xf32>
    %add3A_677 = arith.addf %add3A_675, %slice3A_676 : vector<1024x128xf32>
    %add3A_678 = arith.constant 5.120000e+03 : f32
    %add3A_679 = vector.broadcast %add3A_678 : f32 to vector<1x128xf32>
    %add3A_680 = arith.addf %convert_element_type3A, %add3A_679 : vector<1x128xf32>
    %get3A_681 = arith.constant 0 : index
    %get3A_682 = arith.constant 5248 : index
    %get3A_683 = vector.load %arg1[%get3A_681, %get3A_682] : memref<1x8192xf32, #tpu.memory_space<vmem>>, vector<1x128xf32>
    %add3A_684 = vector.broadcast %broadcast_in_dim3A : vector<1024x1xf32> to vector<1024x128xf32>
    %add3A_685 = vector.broadcast %get3A_683 : vector<1x128xf32> to vector<1024x128xf32>
    %add3A_686 = arith.addf %add3A_684, %add3A_685 : vector<1024x128xf32>
    %slice3A_687 = vector.extract_strided_slice %dot_general3A_669 {offsets = [0, 128], sizes = [1024, 128], strides = [1, 1]} : vector<1024x1024xf32> to vector<1024x128xf32>
    %add3A_688 = arith.addf %add3A_686, %slice3A_687 : vector<1024x128xf32>
    %add3A_689 = arith.constant 5.248000e+03 : f32
    %add3A_690 = vector.broadcast %add3A_689 : f32 to vector<1x128xf32>
    %add3A_691 = arith.addf %convert_element_type3A, %add3A_690 : vector<1x128xf32>
    %get3A_692 = arith.constant 0 : index
    %get3A_693 = arith.constant 5376 : index
    %get3A_694 = vector.load %arg1[%get3A_692, %get3A_693] : memref<1x8192xf32, #tpu.memory_space<vmem>>, vector<1x128xf32>
    %add3A_695 = vector.broadcast %broadcast_in_dim3A : vector<1024x1xf32> to vector<1024x128xf32>
    %add3A_696 = vector.broadcast %get3A_694 : vector<1x128xf32> to vector<1024x128xf32>
    %add3A_697 = arith.addf %add3A_695, %add3A_696 : vector<1024x128xf32>
    %slice3A_698 = vector.extract_strided_slice %dot_general3A_669 {offsets = [0, 256], sizes = [1024, 128], strides = [1, 1]} : vector<1024x1024xf32> to vector<1024x128xf32>
    %add3A_699 = arith.addf %add3A_697, %slice3A_698 : vector<1024x128xf32>
    %add3A_700 = arith.constant 5.376000e+03 : f32
    %add3A_701 = vector.broadcast %add3A_700 : f32 to vector<1x128xf32>
    %add3A_702 = arith.addf %convert_element_type3A, %add3A_701 : vector<1x128xf32>
    %get3A_703 = arith.constant 0 : index
    %get3A_704 = arith.constant 5504 : index
    %get3A_705 = vector.load %arg1[%get3A_703, %get3A_704] : memref<1x8192xf32, #tpu.memory_space<vmem>>, vector<1x128xf32>
    %add3A_706 = vector.broadcast %broadcast_in_dim3A : vector<1024x1xf32> to vector<1024x128xf32>
    %add3A_707 = vector.broadcast %get3A_705 : vector<1x128xf32> to vector<1024x128xf32>
    %add3A_708 = arith.addf %add3A_706, %add3A_707 : vector<1024x128xf32>
    %slice3A_709 = vector.extract_strided_slice %dot_general3A_669 {offsets = [0, 384], sizes = [1024, 128], strides = [1, 1]} : vector<1024x1024xf32> to vector<1024x128xf32>
    %add3A_710 = arith.addf %add3A_708, %slice3A_709 : vector<1024x128xf32>
    %add3A_711 = arith.constant 5.504000e+03 : f32
    %add3A_712 = vector.broadcast %add3A_711 : f32 to vector<1x128xf32>
    %add3A_713 = arith.addf %convert_element_type3A, %add3A_712 : vector<1x128xf32>
    %get3A_714 = arith.constant 0 : index
    %get3A_715 = arith.constant 5632 : index
    %get3A_716 = vector.load %arg1[%get3A_714, %get3A_715] : memref<1x8192xf32, #tpu.memory_space<vmem>>, vector<1x128xf32>
    %add3A_717 = vector.broadcast %broadcast_in_dim3A : vector<1024x1xf32> to vector<1024x128xf32>
    %add3A_718 = vector.broadcast %get3A_716 : vector<1x128xf32> to vector<1024x128xf32>
    %add3A_719 = arith.addf %add3A_717, %add3A_718 : vector<1024x128xf32>
    %slice3A_720 = vector.extract_strided_slice %dot_general3A_669 {offsets = [0, 512], sizes = [1024, 128], strides = [1, 1]} : vector<1024x1024xf32> to vector<1024x128xf32>
    %add3A_721 = arith.addf %add3A_719, %slice3A_720 : vector<1024x128xf32>
    %add3A_722 = arith.constant 5.632000e+03 : f32
    %add3A_723 = vector.broadcast %add3A_722 : f32 to vector<1x128xf32>
    %add3A_724 = arith.addf %convert_element_type3A, %add3A_723 : vector<1x128xf32>
    %get3A_725 = arith.constant 0 : index
    %get3A_726 = arith.constant 5760 : index
    %get3A_727 = vector.load %arg1[%get3A_725, %get3A_726] : memref<1x8192xf32, #tpu.memory_space<vmem>>, vector<1x128xf32>
    %add3A_728 = vector.broadcast %broadcast_in_dim3A : vector<1024x1xf32> to vector<1024x128xf32>
    %add3A_729 = vector.broadcast %get3A_727 : vector<1x128xf32> to vector<1024x128xf32>
    %add3A_730 = arith.addf %add3A_728, %add3A_729 : vector<1024x128xf32>
    %slice3A_731 = vector.extract_strided_slice %dot_general3A_669 {offsets = [0, 640], sizes = [1024, 128], strides = [1, 1]} : vector<1024x1024xf32> to vector<1024x128xf32>
    %add3A_732 = arith.addf %add3A_730, %slice3A_731 : vector<1024x128xf32>
    %add3A_733 = arith.constant 5.760000e+03 : f32
    %add3A_734 = vector.broadcast %add3A_733 : f32 to vector<1x128xf32>
    %add3A_735 = arith.addf %convert_element_type3A, %add3A_734 : vector<1x128xf32>
    %get3A_736 = arith.constant 0 : index
    %get3A_737 = arith.constant 5888 : index
    %get3A_738 = vector.load %arg1[%get3A_736, %get3A_737] : memref<1x8192xf32, #tpu.memory_space<vmem>>, vector<1x128xf32>
    %add3A_739 = vector.broadcast %broadcast_in_dim3A : vector<1024x1xf32> to vector<1024x128xf32>
    %add3A_740 = vector.broadcast %get3A_738 : vector<1x128xf32> to vector<1024x128xf32>
    %add3A_741 = arith.addf %add3A_739, %add3A_740 : vector<1024x128xf32>
    %slice3A_742 = vector.extract_strided_slice %dot_general3A_669 {offsets = [0, 768], sizes = [1024, 128], strides = [1, 1]} : vector<1024x1024xf32> to vector<1024x128xf32>
    %add3A_743 = arith.addf %add3A_741, %slice3A_742 : vector<1024x128xf32>
    %add3A_744 = arith.constant 5.888000e+03 : f32
    %add3A_745 = vector.broadcast %add3A_744 : f32 to vector<1x128xf32>
    %add3A_746 = arith.addf %convert_element_type3A, %add3A_745 : vector<1x128xf32>
    %get3A_747 = arith.constant 0 : index
    %get3A_748 = arith.constant 6016 : index
    %get3A_749 = vector.load %arg1[%get3A_747, %get3A_748] : memref<1x8192xf32, #tpu.memory_space<vmem>>, vector<1x128xf32>
    %add3A_750 = vector.broadcast %broadcast_in_dim3A : vector<1024x1xf32> to vector<1024x128xf32>
    %add3A_751 = vector.broadcast %get3A_749 : vector<1x128xf32> to vector<1024x128xf32>
    %add3A_752 = arith.addf %add3A_750, %add3A_751 : vector<1024x128xf32>
    %slice3A_753 = vector.extract_strided_slice %dot_general3A_669 {offsets = [0, 896], sizes = [1024, 128], strides = [1, 1]} : vector<1024x1024xf32> to vector<1024x128xf32>
    %add3A_754 = arith.addf %add3A_752, %slice3A_753 : vector<1024x128xf32>
    %add3A_755 = arith.constant 6.016000e+03 : f32
    %add3A_756 = vector.broadcast %add3A_755 : f32 to vector<1x128xf32>
    %add3A_757 = arith.addf %convert_element_type3A, %add3A_756 : vector<1x128xf32>
    %lt3A_758 = arith.cmpf olt, %add3A_688, %add3A_677 : vector<1024x128xf32>
    %select_n3A_759 = arith.select %lt3A_758, %add3A_688, %add3A_677 : vector<1024x128xi1>, vector<1024x128xf32>
    %broadcast_in_dim3A_760 = vector.shape_cast %add3A_691 : vector<1x128xf32> to vector<1x128xf32>
    %broadcast_in_dim3A_761 = vector.broadcast %broadcast_in_dim3A_760 : vector<1x128xf32> to vector<1024x128xf32>
    %broadcast_in_dim3A_762 = vector.shape_cast %add3A_680 : vector<1x128xf32> to vector<1x128xf32>
    %broadcast_in_dim3A_763 = vector.broadcast %broadcast_in_dim3A_762 : vector<1x128xf32> to vector<1024x128xf32>
    %select_n3A_764 = arith.select %lt3A_758, %broadcast_in_dim3A_761, %broadcast_in_dim3A_763 : vector<1024x128xi1>, vector<1024x128xf32>
    %lt3A_765 = arith.cmpf olt, %add3A_710, %add3A_699 : vector<1024x128xf32>
    %select_n3A_766 = arith.select %lt3A_765, %add3A_710, %add3A_699 : vector<1024x128xi1>, vector<1024x128xf32>
    %broadcast_in_dim3A_767 = vector.shape_cast %add3A_713 : vector<1x128xf32> to vector<1x128xf32>
    %broadcast_in_dim3A_768 = vector.broadcast %broadcast_in_dim3A_767 : vector<1x128xf32> to vector<1024x128xf32>
    %broadcast_in_dim3A_769 = vector.shape_cast %add3A_702 : vector<1x128xf32> to vector<1x128xf32>
    %broadcast_in_dim3A_770 = vector.broadcast %broadcast_in_dim3A_769 : vector<1x128xf32> to vector<1024x128xf32>
    %select_n3A_771 = arith.select %lt3A_765, %broadcast_in_dim3A_768, %broadcast_in_dim3A_770 : vector<1024x128xi1>, vector<1024x128xf32>
    %lt3A_772 = arith.cmpf olt, %add3A_732, %add3A_721 : vector<1024x128xf32>
    %select_n3A_773 = arith.select %lt3A_772, %add3A_732, %add3A_721 : vector<1024x128xi1>, vector<1024x128xf32>
    %broadcast_in_dim3A_774 = vector.shape_cast %add3A_735 : vector<1x128xf32> to vector<1x128xf32>
    %broadcast_in_dim3A_775 = vector.broadcast %broadcast_in_dim3A_774 : vector<1x128xf32> to vector<1024x128xf32>
    %broadcast_in_dim3A_776 = vector.shape_cast %add3A_724 : vector<1x128xf32> to vector<1x128xf32>
    %broadcast_in_dim3A_777 = vector.broadcast %broadcast_in_dim3A_776 : vector<1x128xf32> to vector<1024x128xf32>
    %select_n3A_778 = arith.select %lt3A_772, %broadcast_in_dim3A_775, %broadcast_in_dim3A_777 : vector<1024x128xi1>, vector<1024x128xf32>
    %lt3A_779 = arith.cmpf olt, %add3A_754, %add3A_743 : vector<1024x128xf32>
    %select_n3A_780 = arith.select %lt3A_779, %add3A_754, %add3A_743 : vector<1024x128xi1>, vector<1024x128xf32>
    %broadcast_in_dim3A_781 = vector.shape_cast %add3A_757 : vector<1x128xf32> to vector<1x128xf32>
    %broadcast_in_dim3A_782 = vector.broadcast %broadcast_in_dim3A_781 : vector<1x128xf32> to vector<1024x128xf32>
    %broadcast_in_dim3A_783 = vector.shape_cast %add3A_746 : vector<1x128xf32> to vector<1x128xf32>
    %broadcast_in_dim3A_784 = vector.broadcast %broadcast_in_dim3A_783 : vector<1x128xf32> to vector<1024x128xf32>
    %select_n3A_785 = arith.select %lt3A_779, %broadcast_in_dim3A_782, %broadcast_in_dim3A_784 : vector<1024x128xi1>, vector<1024x128xf32>
    %lt3A_786 = arith.cmpf olt, %select_n3A_766, %select_n3A_759 : vector<1024x128xf32>
    %select_n3A_787 = arith.select %lt3A_786, %select_n3A_766, %select_n3A_759 : vector<1024x128xi1>, vector<1024x128xf32>
    %select_n3A_788 = arith.select %lt3A_786, %select_n3A_771, %select_n3A_764 : vector<1024x128xi1>, vector<1024x128xf32>
    %lt3A_789 = arith.cmpf olt, %select_n3A_780, %select_n3A_773 : vector<1024x128xf32>
    %select_n3A_790 = arith.select %lt3A_789, %select_n3A_780, %select_n3A_773 : vector<1024x128xi1>, vector<1024x128xf32>
    %select_n3A_791 = arith.select %lt3A_789, %select_n3A_785, %select_n3A_778 : vector<1024x128xi1>, vector<1024x128xf32>
    %lt3A_792 = arith.cmpf olt, %select_n3A_790, %select_n3A_787 : vector<1024x128xf32>
    %select_n3A_793 = arith.select %lt3A_792, %select_n3A_790, %select_n3A_787 : vector<1024x128xi1>, vector<1024x128xf32>
    %select_n3A_794 = arith.select %lt3A_792, %select_n3A_791, %select_n3A_788 : vector<1024x128xi1>, vector<1024x128xf32>
    %lt3A_795 = arith.cmpf olt, %select_n3A_793, %select_n3A_663 : vector<1024x128xf32>
    %select_n3A_796 = arith.select %lt3A_795, %select_n3A_793, %select_n3A_663 : vector<1024x128xi1>, vector<1024x128xf32>
    %select_n3A_797 = arith.select %lt3A_795, %select_n3A_794, %select_n3A_664 : vector<1024x128xi1>, vector<1024x128xf32>
    %get3A_798 = arith.constant 6144 : index
    %get3A_799 = arith.constant 0 : index
    %get3A_800 = vector.load %arg3[%get3A_798, %get3A_799] : memref<8192x256xf32, #tpu.memory_space<vmem>>, vector<1024x256xf32>
    %dot_general3A_801 = arith.constant dense<0.000000e+00> : vector<1024x1024xf32>
    %dot_general3A_802 = tpu.matmul %mul3A_3, %get3A_800, %dot_general3A_801 {dimension_numbers = #tpu.dot_dimension_numbers<[1], [1], [0], [0], [0, 0, 1, 0], [], []>, transpose_lhs_hint = false} : vector<1024x256xf32>, vector<1024x256xf32>, vector<1024x1024xf32> -> vector<1024x1024xf32>
    %get3A_803 = arith.constant 0 : index
    %get3A_804 = arith.constant 6144 : index
    %get3A_805 = vector.load %arg1[%get3A_803, %get3A_804] : memref<1x8192xf32, #tpu.memory_space<vmem>>, vector<1x128xf32>
    %add3A_806 = vector.broadcast %broadcast_in_dim3A : vector<1024x1xf32> to vector<1024x128xf32>
    %add3A_807 = vector.broadcast %get3A_805 : vector<1x128xf32> to vector<1024x128xf32>
    %add3A_808 = arith.addf %add3A_806, %add3A_807 : vector<1024x128xf32>
    %slice3A_809 = vector.extract_strided_slice %dot_general3A_802 {offsets = [0, 0], sizes = [1024, 128], strides = [1, 1]} : vector<1024x1024xf32> to vector<1024x128xf32>
    %add3A_810 = arith.addf %add3A_808, %slice3A_809 : vector<1024x128xf32>
    %add3A_811 = arith.constant 6.144000e+03 : f32
    %add3A_812 = vector.broadcast %add3A_811 : f32 to vector<1x128xf32>
    %add3A_813 = arith.addf %convert_element_type3A, %add3A_812 : vector<1x128xf32>
    %get3A_814 = arith.constant 0 : index
    %get3A_815 = arith.constant 6272 : index
    %get3A_816 = vector.load %arg1[%get3A_814, %get3A_815] : memref<1x8192xf32, #tpu.memory_space<vmem>>, vector<1x128xf32>
    %add3A_817 = vector.broadcast %broadcast_in_dim3A : vector<1024x1xf32> to vector<1024x128xf32>
    %add3A_818 = vector.broadcast %get3A_816 : vector<1x128xf32> to vector<1024x128xf32>
    %add3A_819 = arith.addf %add3A_817, %add3A_818 : vector<1024x128xf32>
    %slice3A_820 = vector.extract_strided_slice %dot_general3A_802 {offsets = [0, 128], sizes = [1024, 128], strides = [1, 1]} : vector<1024x1024xf32> to vector<1024x128xf32>
    %add3A_821 = arith.addf %add3A_819, %slice3A_820 : vector<1024x128xf32>
    %add3A_822 = arith.constant 6.272000e+03 : f32
    %add3A_823 = vector.broadcast %add3A_822 : f32 to vector<1x128xf32>
    %add3A_824 = arith.addf %convert_element_type3A, %add3A_823 : vector<1x128xf32>
    %get3A_825 = arith.constant 0 : index
    %get3A_826 = arith.constant 6400 : index
    %get3A_827 = vector.load %arg1[%get3A_825, %get3A_826] : memref<1x8192xf32, #tpu.memory_space<vmem>>, vector<1x128xf32>
    %add3A_828 = vector.broadcast %broadcast_in_dim3A : vector<1024x1xf32> to vector<1024x128xf32>
    %add3A_829 = vector.broadcast %get3A_827 : vector<1x128xf32> to vector<1024x128xf32>
    %add3A_830 = arith.addf %add3A_828, %add3A_829 : vector<1024x128xf32>
    %slice3A_831 = vector.extract_strided_slice %dot_general3A_802 {offsets = [0, 256], sizes = [1024, 128], strides = [1, 1]} : vector<1024x1024xf32> to vector<1024x128xf32>
    %add3A_832 = arith.addf %add3A_830, %slice3A_831 : vector<1024x128xf32>
    %add3A_833 = arith.constant 6.400000e+03 : f32
    %add3A_834 = vector.broadcast %add3A_833 : f32 to vector<1x128xf32>
    %add3A_835 = arith.addf %convert_element_type3A, %add3A_834 : vector<1x128xf32>
    %get3A_836 = arith.constant 0 : index
    %get3A_837 = arith.constant 6528 : index
    %get3A_838 = vector.load %arg1[%get3A_836, %get3A_837] : memref<1x8192xf32, #tpu.memory_space<vmem>>, vector<1x128xf32>
    %add3A_839 = vector.broadcast %broadcast_in_dim3A : vector<1024x1xf32> to vector<1024x128xf32>
    %add3A_840 = vector.broadcast %get3A_838 : vector<1x128xf32> to vector<1024x128xf32>
    %add3A_841 = arith.addf %add3A_839, %add3A_840 : vector<1024x128xf32>
    %slice3A_842 = vector.extract_strided_slice %dot_general3A_802 {offsets = [0, 384], sizes = [1024, 128], strides = [1, 1]} : vector<1024x1024xf32> to vector<1024x128xf32>
    %add3A_843 = arith.addf %add3A_841, %slice3A_842 : vector<1024x128xf32>
    %add3A_844 = arith.constant 6.528000e+03 : f32
    %add3A_845 = vector.broadcast %add3A_844 : f32 to vector<1x128xf32>
    %add3A_846 = arith.addf %convert_element_type3A, %add3A_845 : vector<1x128xf32>
    %get3A_847 = arith.constant 0 : index
    %get3A_848 = arith.constant 6656 : index
    %get3A_849 = vector.load %arg1[%get3A_847, %get3A_848] : memref<1x8192xf32, #tpu.memory_space<vmem>>, vector<1x128xf32>
    %add3A_850 = vector.broadcast %broadcast_in_dim3A : vector<1024x1xf32> to vector<1024x128xf32>
    %add3A_851 = vector.broadcast %get3A_849 : vector<1x128xf32> to vector<1024x128xf32>
    %add3A_852 = arith.addf %add3A_850, %add3A_851 : vector<1024x128xf32>
    %slice3A_853 = vector.extract_strided_slice %dot_general3A_802 {offsets = [0, 512], sizes = [1024, 128], strides = [1, 1]} : vector<1024x1024xf32> to vector<1024x128xf32>
    %add3A_854 = arith.addf %add3A_852, %slice3A_853 : vector<1024x128xf32>
    %add3A_855 = arith.constant 6.656000e+03 : f32
    %add3A_856 = vector.broadcast %add3A_855 : f32 to vector<1x128xf32>
    %add3A_857 = arith.addf %convert_element_type3A, %add3A_856 : vector<1x128xf32>
    %get3A_858 = arith.constant 0 : index
    %get3A_859 = arith.constant 6784 : index
    %get3A_860 = vector.load %arg1[%get3A_858, %get3A_859] : memref<1x8192xf32, #tpu.memory_space<vmem>>, vector<1x128xf32>
    %add3A_861 = vector.broadcast %broadcast_in_dim3A : vector<1024x1xf32> to vector<1024x128xf32>
    %add3A_862 = vector.broadcast %get3A_860 : vector<1x128xf32> to vector<1024x128xf32>
    %add3A_863 = arith.addf %add3A_861, %add3A_862 : vector<1024x128xf32>
    %slice3A_864 = vector.extract_strided_slice %dot_general3A_802 {offsets = [0, 640], sizes = [1024, 128], strides = [1, 1]} : vector<1024x1024xf32> to vector<1024x128xf32>
    %add3A_865 = arith.addf %add3A_863, %slice3A_864 : vector<1024x128xf32>
    %add3A_866 = arith.constant 6.784000e+03 : f32
    %add3A_867 = vector.broadcast %add3A_866 : f32 to vector<1x128xf32>
    %add3A_868 = arith.addf %convert_element_type3A, %add3A_867 : vector<1x128xf32>
    %get3A_869 = arith.constant 0 : index
    %get3A_870 = arith.constant 6912 : index
    %get3A_871 = vector.load %arg1[%get3A_869, %get3A_870] : memref<1x8192xf32, #tpu.memory_space<vmem>>, vector<1x128xf32>
    %add3A_872 = vector.broadcast %broadcast_in_dim3A : vector<1024x1xf32> to vector<1024x128xf32>
    %add3A_873 = vector.broadcast %get3A_871 : vector<1x128xf32> to vector<1024x128xf32>
    %add3A_874 = arith.addf %add3A_872, %add3A_873 : vector<1024x128xf32>
    %slice3A_875 = vector.extract_strided_slice %dot_general3A_802 {offsets = [0, 768], sizes = [1024, 128], strides = [1, 1]} : vector<1024x1024xf32> to vector<1024x128xf32>
    %add3A_876 = arith.addf %add3A_874, %slice3A_875 : vector<1024x128xf32>
    %add3A_877 = arith.constant 6.912000e+03 : f32
    %add3A_878 = vector.broadcast %add3A_877 : f32 to vector<1x128xf32>
    %add3A_879 = arith.addf %convert_element_type3A, %add3A_878 : vector<1x128xf32>
    %get3A_880 = arith.constant 0 : index
    %get3A_881 = arith.constant 7040 : index
    %get3A_882 = vector.load %arg1[%get3A_880, %get3A_881] : memref<1x8192xf32, #tpu.memory_space<vmem>>, vector<1x128xf32>
    %add3A_883 = vector.broadcast %broadcast_in_dim3A : vector<1024x1xf32> to vector<1024x128xf32>
    %add3A_884 = vector.broadcast %get3A_882 : vector<1x128xf32> to vector<1024x128xf32>
    %add3A_885 = arith.addf %add3A_883, %add3A_884 : vector<1024x128xf32>
    %slice3A_886 = vector.extract_strided_slice %dot_general3A_802 {offsets = [0, 896], sizes = [1024, 128], strides = [1, 1]} : vector<1024x1024xf32> to vector<1024x128xf32>
    %add3A_887 = arith.addf %add3A_885, %slice3A_886 : vector<1024x128xf32>
    %add3A_888 = arith.constant 7.040000e+03 : f32
    %add3A_889 = vector.broadcast %add3A_888 : f32 to vector<1x128xf32>
    %add3A_890 = arith.addf %convert_element_type3A, %add3A_889 : vector<1x128xf32>
    %lt3A_891 = arith.cmpf olt, %add3A_821, %add3A_810 : vector<1024x128xf32>
    %select_n3A_892 = arith.select %lt3A_891, %add3A_821, %add3A_810 : vector<1024x128xi1>, vector<1024x128xf32>
    %broadcast_in_dim3A_893 = vector.shape_cast %add3A_824 : vector<1x128xf32> to vector<1x128xf32>
    %broadcast_in_dim3A_894 = vector.broadcast %broadcast_in_dim3A_893 : vector<1x128xf32> to vector<1024x128xf32>
    %broadcast_in_dim3A_895 = vector.shape_cast %add3A_813 : vector<1x128xf32> to vector<1x128xf32>
    %broadcast_in_dim3A_896 = vector.broadcast %broadcast_in_dim3A_895 : vector<1x128xf32> to vector<1024x128xf32>
    %select_n3A_897 = arith.select %lt3A_891, %broadcast_in_dim3A_894, %broadcast_in_dim3A_896 : vector<1024x128xi1>, vector<1024x128xf32>
    %lt3A_898 = arith.cmpf olt, %add3A_843, %add3A_832 : vector<1024x128xf32>
    %select_n3A_899 = arith.select %lt3A_898, %add3A_843, %add3A_832 : vector<1024x128xi1>, vector<1024x128xf32>
    %broadcast_in_dim3A_900 = vector.shape_cast %add3A_846 : vector<1x128xf32> to vector<1x128xf32>
    %broadcast_in_dim3A_901 = vector.broadcast %broadcast_in_dim3A_900 : vector<1x128xf32> to vector<1024x128xf32>
    %broadcast_in_dim3A_902 = vector.shape_cast %add3A_835 : vector<1x128xf32> to vector<1x128xf32>
    %broadcast_in_dim3A_903 = vector.broadcast %broadcast_in_dim3A_902 : vector<1x128xf32> to vector<1024x128xf32>
    %select_n3A_904 = arith.select %lt3A_898, %broadcast_in_dim3A_901, %broadcast_in_dim3A_903 : vector<1024x128xi1>, vector<1024x128xf32>
    %lt3A_905 = arith.cmpf olt, %add3A_865, %add3A_854 : vector<1024x128xf32>
    %select_n3A_906 = arith.select %lt3A_905, %add3A_865, %add3A_854 : vector<1024x128xi1>, vector<1024x128xf32>
    %broadcast_in_dim3A_907 = vector.shape_cast %add3A_868 : vector<1x128xf32> to vector<1x128xf32>
    %broadcast_in_dim3A_908 = vector.broadcast %broadcast_in_dim3A_907 : vector<1x128xf32> to vector<1024x128xf32>
    %broadcast_in_dim3A_909 = vector.shape_cast %add3A_857 : vector<1x128xf32> to vector<1x128xf32>
    %broadcast_in_dim3A_910 = vector.broadcast %broadcast_in_dim3A_909 : vector<1x128xf32> to vector<1024x128xf32>
    %select_n3A_911 = arith.select %lt3A_905, %broadcast_in_dim3A_908, %broadcast_in_dim3A_910 : vector<1024x128xi1>, vector<1024x128xf32>
    %lt3A_912 = arith.cmpf olt, %add3A_887, %add3A_876 : vector<1024x128xf32>
    %select_n3A_913 = arith.select %lt3A_912, %add3A_887, %add3A_876 : vector<1024x128xi1>, vector<1024x128xf32>
    %broadcast_in_dim3A_914 = vector.shape_cast %add3A_890 : vector<1x128xf32> to vector<1x128xf32>
    %broadcast_in_dim3A_915 = vector.broadcast %broadcast_in_dim3A_914 : vector<1x128xf32> to vector<1024x128xf32>
    %broadcast_in_dim3A_916 = vector.shape_cast %add3A_879 : vector<1x128xf32> to vector<1x128xf32>
    %broadcast_in_dim3A_917 = vector.broadcast %broadcast_in_dim3A_916 : vector<1x128xf32> to vector<1024x128xf32>
    %select_n3A_918 = arith.select %lt3A_912, %broadcast_in_dim3A_915, %broadcast_in_dim3A_917 : vector<1024x128xi1>, vector<1024x128xf32>
    %lt3A_919 = arith.cmpf olt, %select_n3A_899, %select_n3A_892 : vector<1024x128xf32>
    %select_n3A_920 = arith.select %lt3A_919, %select_n3A_899, %select_n3A_892 : vector<1024x128xi1>, vector<1024x128xf32>
    %select_n3A_921 = arith.select %lt3A_919, %select_n3A_904, %select_n3A_897 : vector<1024x128xi1>, vector<1024x128xf32>
    %lt3A_922 = arith.cmpf olt, %select_n3A_913, %select_n3A_906 : vector<1024x128xf32>
    %select_n3A_923 = arith.select %lt3A_922, %select_n3A_913, %select_n3A_906 : vector<1024x128xi1>, vector<1024x128xf32>
    %select_n3A_924 = arith.select %lt3A_922, %select_n3A_918, %select_n3A_911 : vector<1024x128xi1>, vector<1024x128xf32>
    %lt3A_925 = arith.cmpf olt, %select_n3A_923, %select_n3A_920 : vector<1024x128xf32>
    %select_n3A_926 = arith.select %lt3A_925, %select_n3A_923, %select_n3A_920 : vector<1024x128xi1>, vector<1024x128xf32>
    %select_n3A_927 = arith.select %lt3A_925, %select_n3A_924, %select_n3A_921 : vector<1024x128xi1>, vector<1024x128xf32>
    %lt3A_928 = arith.cmpf olt, %select_n3A_926, %select_n3A_796 : vector<1024x128xf32>
    %select_n3A_929 = arith.select %lt3A_928, %select_n3A_926, %select_n3A_796 : vector<1024x128xi1>, vector<1024x128xf32>
    %select_n3A_930 = arith.select %lt3A_928, %select_n3A_927, %select_n3A_797 : vector<1024x128xi1>, vector<1024x128xf32>
    %get3A_931 = arith.constant 7168 : index
    %get3A_932 = arith.constant 0 : index
    %get3A_933 = vector.load %arg3[%get3A_931, %get3A_932] : memref<8192x256xf32, #tpu.memory_space<vmem>>, vector<1024x256xf32>
    %dot_general3A_934 = arith.constant dense<0.000000e+00> : vector<1024x1024xf32>
    %dot_general3A_935 = tpu.matmul %mul3A_3, %get3A_933, %dot_general3A_934 {dimension_numbers = #tpu.dot_dimension_numbers<[1], [1], [0], [0], [0, 0, 1, 0], [], []>, transpose_lhs_hint = false} : vector<1024x256xf32>, vector<1024x256xf32>, vector<1024x1024xf32> -> vector<1024x1024xf32>
    %get3A_936 = arith.constant 0 : index
    %get3A_937 = arith.constant 7168 : index
    %get3A_938 = vector.load %arg1[%get3A_936, %get3A_937] : memref<1x8192xf32, #tpu.memory_space<vmem>>, vector<1x128xf32>
    %add3A_939 = vector.broadcast %broadcast_in_dim3A : vector<1024x1xf32> to vector<1024x128xf32>
    %add3A_940 = vector.broadcast %get3A_938 : vector<1x128xf32> to vector<1024x128xf32>
    %add3A_941 = arith.addf %add3A_939, %add3A_940 : vector<1024x128xf32>
    %slice3A_942 = vector.extract_strided_slice %dot_general3A_935 {offsets = [0, 0], sizes = [1024, 128], strides = [1, 1]} : vector<1024x1024xf32> to vector<1024x128xf32>
    %add3A_943 = arith.addf %add3A_941, %slice3A_942 : vector<1024x128xf32>
    %add3A_944 = arith.constant 7.168000e+03 : f32
    %add3A_945 = vector.broadcast %add3A_944 : f32 to vector<1x128xf32>
    %add3A_946 = arith.addf %convert_element_type3A, %add3A_945 : vector<1x128xf32>
    %get3A_947 = arith.constant 0 : index
    %get3A_948 = arith.constant 7296 : index
    %get3A_949 = vector.load %arg1[%get3A_947, %get3A_948] : memref<1x8192xf32, #tpu.memory_space<vmem>>, vector<1x128xf32>
    %add3A_950 = vector.broadcast %broadcast_in_dim3A : vector<1024x1xf32> to vector<1024x128xf32>
    %add3A_951 = vector.broadcast %get3A_949 : vector<1x128xf32> to vector<1024x128xf32>
    %add3A_952 = arith.addf %add3A_950, %add3A_951 : vector<1024x128xf32>
    %slice3A_953 = vector.extract_strided_slice %dot_general3A_935 {offsets = [0, 128], sizes = [1024, 128], strides = [1, 1]} : vector<1024x1024xf32> to vector<1024x128xf32>
    %add3A_954 = arith.addf %add3A_952, %slice3A_953 : vector<1024x128xf32>
    %add3A_955 = arith.constant 7.296000e+03 : f32
    %add3A_956 = vector.broadcast %add3A_955 : f32 to vector<1x128xf32>
    %add3A_957 = arith.addf %convert_element_type3A, %add3A_956 : vector<1x128xf32>
    %get3A_958 = arith.constant 0 : index
    %get3A_959 = arith.constant 7424 : index
    %get3A_960 = vector.load %arg1[%get3A_958, %get3A_959] : memref<1x8192xf32, #tpu.memory_space<vmem>>, vector<1x128xf32>
    %add3A_961 = vector.broadcast %broadcast_in_dim3A : vector<1024x1xf32> to vector<1024x128xf32>
    %add3A_962 = vector.broadcast %get3A_960 : vector<1x128xf32> to vector<1024x128xf32>
    %add3A_963 = arith.addf %add3A_961, %add3A_962 : vector<1024x128xf32>
    %slice3A_964 = vector.extract_strided_slice %dot_general3A_935 {offsets = [0, 256], sizes = [1024, 128], strides = [1, 1]} : vector<1024x1024xf32> to vector<1024x128xf32>
    %add3A_965 = arith.addf %add3A_963, %slice3A_964 : vector<1024x128xf32>
    %add3A_966 = arith.constant 7.424000e+03 : f32
    %add3A_967 = vector.broadcast %add3A_966 : f32 to vector<1x128xf32>
    %add3A_968 = arith.addf %convert_element_type3A, %add3A_967 : vector<1x128xf32>
    %get3A_969 = arith.constant 0 : index
    %get3A_970 = arith.constant 7552 : index
    %get3A_971 = vector.load %arg1[%get3A_969, %get3A_970] : memref<1x8192xf32, #tpu.memory_space<vmem>>, vector<1x128xf32>
    %add3A_972 = vector.broadcast %broadcast_in_dim3A : vector<1024x1xf32> to vector<1024x128xf32>
    %add3A_973 = vector.broadcast %get3A_971 : vector<1x128xf32> to vector<1024x128xf32>
    %add3A_974 = arith.addf %add3A_972, %add3A_973 : vector<1024x128xf32>
    %slice3A_975 = vector.extract_strided_slice %dot_general3A_935 {offsets = [0, 384], sizes = [1024, 128], strides = [1, 1]} : vector<1024x1024xf32> to vector<1024x128xf32>
    %add3A_976 = arith.addf %add3A_974, %slice3A_975 : vector<1024x128xf32>
    %add3A_977 = arith.constant 7.552000e+03 : f32
    %add3A_978 = vector.broadcast %add3A_977 : f32 to vector<1x128xf32>
    %add3A_979 = arith.addf %convert_element_type3A, %add3A_978 : vector<1x128xf32>
    %get3A_980 = arith.constant 0 : index
    %get3A_981 = arith.constant 7680 : index
    %get3A_982 = vector.load %arg1[%get3A_980, %get3A_981] : memref<1x8192xf32, #tpu.memory_space<vmem>>, vector<1x128xf32>
    %add3A_983 = vector.broadcast %broadcast_in_dim3A : vector<1024x1xf32> to vector<1024x128xf32>
    %add3A_984 = vector.broadcast %get3A_982 : vector<1x128xf32> to vector<1024x128xf32>
    %add3A_985 = arith.addf %add3A_983, %add3A_984 : vector<1024x128xf32>
    %slice3A_986 = vector.extract_strided_slice %dot_general3A_935 {offsets = [0, 512], sizes = [1024, 128], strides = [1, 1]} : vector<1024x1024xf32> to vector<1024x128xf32>
    %add3A_987 = arith.addf %add3A_985, %slice3A_986 : vector<1024x128xf32>
    %add3A_988 = arith.constant 7.680000e+03 : f32
    %add3A_989 = vector.broadcast %add3A_988 : f32 to vector<1x128xf32>
    %add3A_990 = arith.addf %convert_element_type3A, %add3A_989 : vector<1x128xf32>
    %get3A_991 = arith.constant 0 : index
    %get3A_992 = arith.constant 7808 : index
    %get3A_993 = vector.load %arg1[%get3A_991, %get3A_992] : memref<1x8192xf32, #tpu.memory_space<vmem>>, vector<1x128xf32>
    %add3A_994 = vector.broadcast %broadcast_in_dim3A : vector<1024x1xf32> to vector<1024x128xf32>
    %add3A_995 = vector.broadcast %get3A_993 : vector<1x128xf32> to vector<1024x128xf32>
    %add3A_996 = arith.addf %add3A_994, %add3A_995 : vector<1024x128xf32>
    %slice3A_997 = vector.extract_strided_slice %dot_general3A_935 {offsets = [0, 640], sizes = [1024, 128], strides = [1, 1]} : vector<1024x1024xf32> to vector<1024x128xf32>
    %add3A_998 = arith.addf %add3A_996, %slice3A_997 : vector<1024x128xf32>
    %add3A_999 = arith.constant 7.808000e+03 : f32
    %add3A_1000 = vector.broadcast %add3A_999 : f32 to vector<1x128xf32>
    %add3A_1001 = arith.addf %convert_element_type3A, %add3A_1000 : vector<1x128xf32>
    %get3A_1002 = arith.constant 0 : index
    %get3A_1003 = arith.constant 7936 : index
    %get3A_1004 = vector.load %arg1[%get3A_1002, %get3A_1003] : memref<1x8192xf32, #tpu.memory_space<vmem>>, vector<1x128xf32>
    %add3A_1005 = vector.broadcast %broadcast_in_dim3A : vector<1024x1xf32> to vector<1024x128xf32>
    %add3A_1006 = vector.broadcast %get3A_1004 : vector<1x128xf32> to vector<1024x128xf32>
    %add3A_1007 = arith.addf %add3A_1005, %add3A_1006 : vector<1024x128xf32>
    %slice3A_1008 = vector.extract_strided_slice %dot_general3A_935 {offsets = [0, 768], sizes = [1024, 128], strides = [1, 1]} : vector<1024x1024xf32> to vector<1024x128xf32>
    %add3A_1009 = arith.addf %add3A_1007, %slice3A_1008 : vector<1024x128xf32>
    %add3A_1010 = arith.constant 7.936000e+03 : f32
    %add3A_1011 = vector.broadcast %add3A_1010 : f32 to vector<1x128xf32>
    %add3A_1012 = arith.addf %convert_element_type3A, %add3A_1011 : vector<1x128xf32>
    %get3A_1013 = arith.constant 0 : index
    %get3A_1014 = arith.constant 8064 : index
    %get3A_1015 = vector.load %arg1[%get3A_1013, %get3A_1014] : memref<1x8192xf32, #tpu.memory_space<vmem>>, vector<1x128xf32>
    %add3A_1016 = vector.broadcast %broadcast_in_dim3A : vector<1024x1xf32> to vector<1024x128xf32>
    %add3A_1017 = vector.broadcast %get3A_1015 : vector<1x128xf32> to vector<1024x128xf32>
    %add3A_1018 = arith.addf %add3A_1016, %add3A_1017 : vector<1024x128xf32>
    %slice3A_1019 = vector.extract_strided_slice %dot_general3A_935 {offsets = [0, 896], sizes = [1024, 128], strides = [1, 1]} : vector<1024x1024xf32> to vector<1024x128xf32>
    %add3A_1020 = arith.addf %add3A_1018, %slice3A_1019 : vector<1024x128xf32>
    %add3A_1021 = arith.constant 8.064000e+03 : f32
    %add3A_1022 = vector.broadcast %add3A_1021 : f32 to vector<1x128xf32>
    %add3A_1023 = arith.addf %convert_element_type3A, %add3A_1022 : vector<1x128xf32>
    %lt3A_1024 = arith.cmpf olt, %add3A_954, %add3A_943 : vector<1024x128xf32>
    %select_n3A_1025 = arith.select %lt3A_1024, %add3A_954, %add3A_943 : vector<1024x128xi1>, vector<1024x128xf32>
    %broadcast_in_dim3A_1026 = vector.shape_cast %add3A_957 : vector<1x128xf32> to vector<1x128xf32>
    %broadcast_in_dim3A_1027 = vector.broadcast %broadcast_in_dim3A_1026 : vector<1x128xf32> to vector<1024x128xf32>
    %broadcast_in_dim3A_1028 = vector.shape_cast %add3A_946 : vector<1x128xf32> to vector<1x128xf32>
    %broadcast_in_dim3A_1029 = vector.broadcast %broadcast_in_dim3A_1028 : vector<1x128xf32> to vector<1024x128xf32>
    %select_n3A_1030 = arith.select %lt3A_1024, %broadcast_in_dim3A_1027, %broadcast_in_dim3A_1029 : vector<1024x128xi1>, vector<1024x128xf32>
    %lt3A_1031 = arith.cmpf olt, %add3A_976, %add3A_965 : vector<1024x128xf32>
    %select_n3A_1032 = arith.select %lt3A_1031, %add3A_976, %add3A_965 : vector<1024x128xi1>, vector<1024x128xf32>
    %broadcast_in_dim3A_1033 = vector.shape_cast %add3A_979 : vector<1x128xf32> to vector<1x128xf32>
    %broadcast_in_dim3A_1034 = vector.broadcast %broadcast_in_dim3A_1033 : vector<1x128xf32> to vector<1024x128xf32>
    %broadcast_in_dim3A_1035 = vector.shape_cast %add3A_968 : vector<1x128xf32> to vector<1x128xf32>
    %broadcast_in_dim3A_1036 = vector.broadcast %broadcast_in_dim3A_1035 : vector<1x128xf32> to vector<1024x128xf32>
    %select_n3A_1037 = arith.select %lt3A_1031, %broadcast_in_dim3A_1034, %broadcast_in_dim3A_1036 : vector<1024x128xi1>, vector<1024x128xf32>
    %lt3A_1038 = arith.cmpf olt, %add3A_998, %add3A_987 : vector<1024x128xf32>
    %select_n3A_1039 = arith.select %lt3A_1038, %add3A_998, %add3A_987 : vector<1024x128xi1>, vector<1024x128xf32>
    %broadcast_in_dim3A_1040 = vector.shape_cast %add3A_1001 : vector<1x128xf32> to vector<1x128xf32>
    %broadcast_in_dim3A_1041 = vector.broadcast %broadcast_in_dim3A_1040 : vector<1x128xf32> to vector<1024x128xf32>
    %broadcast_in_dim3A_1042 = vector.shape_cast %add3A_990 : vector<1x128xf32> to vector<1x128xf32>
    %broadcast_in_dim3A_1043 = vector.broadcast %broadcast_in_dim3A_1042 : vector<1x128xf32> to vector<1024x128xf32>
    %select_n3A_1044 = arith.select %lt3A_1038, %broadcast_in_dim3A_1041, %broadcast_in_dim3A_1043 : vector<1024x128xi1>, vector<1024x128xf32>
    %lt3A_1045 = arith.cmpf olt, %add3A_1020, %add3A_1009 : vector<1024x128xf32>
    %select_n3A_1046 = arith.select %lt3A_1045, %add3A_1020, %add3A_1009 : vector<1024x128xi1>, vector<1024x128xf32>
    %broadcast_in_dim3A_1047 = vector.shape_cast %add3A_1023 : vector<1x128xf32> to vector<1x128xf32>
    %broadcast_in_dim3A_1048 = vector.broadcast %broadcast_in_dim3A_1047 : vector<1x128xf32> to vector<1024x128xf32>
    %broadcast_in_dim3A_1049 = vector.shape_cast %add3A_1012 : vector<1x128xf32> to vector<1x128xf32>
    %broadcast_in_dim3A_1050 = vector.broadcast %broadcast_in_dim3A_1049 : vector<1x128xf32> to vector<1024x128xf32>
    %select_n3A_1051 = arith.select %lt3A_1045, %broadcast_in_dim3A_1048, %broadcast_in_dim3A_1050 : vector<1024x128xi1>, vector<1024x128xf32>
    %lt3A_1052 = arith.cmpf olt, %select_n3A_1032, %select_n3A_1025 : vector<1024x128xf32>
    %select_n3A_1053 = arith.select %lt3A_1052, %select_n3A_1032, %select_n3A_1025 : vector<1024x128xi1>, vector<1024x128xf32>
    %select_n3A_1054 = arith.select %lt3A_1052, %select_n3A_1037, %select_n3A_1030 : vector<1024x128xi1>, vector<1024x128xf32>
    %lt3A_1055 = arith.cmpf olt, %select_n3A_1046, %select_n3A_1039 : vector<1024x128xf32>
    %select_n3A_1056 = arith.select %lt3A_1055, %select_n3A_1046, %select_n3A_1039 : vector<1024x128xi1>, vector<1024x128xf32>
    %select_n3A_1057 = arith.select %lt3A_1055, %select_n3A_1051, %select_n3A_1044 : vector<1024x128xi1>, vector<1024x128xf32>
    %lt3A_1058 = arith.cmpf olt, %select_n3A_1056, %select_n3A_1053 : vector<1024x128xf32>
    %select_n3A_1059 = arith.select %lt3A_1058, %select_n3A_1056, %select_n3A_1053 : vector<1024x128xi1>, vector<1024x128xf32>
    %select_n3A_1060 = arith.select %lt3A_1058, %select_n3A_1057, %select_n3A_1054 : vector<1024x128xi1>, vector<1024x128xf32>
    %lt3A_1061 = arith.cmpf olt, %select_n3A_1059, %select_n3A_929 : vector<1024x128xf32>
    %select_n3A_1062 = arith.select %lt3A_1061, %select_n3A_1059, %select_n3A_929 : vector<1024x128xi1>, vector<1024x128xf32>
    %select_n3A_1063 = arith.select %lt3A_1061, %select_n3A_1060, %select_n3A_930 : vector<1024x128xi1>, vector<1024x128xf32>
    %reduce_min3A = arith.constant dense<0x7F800000> : vector<1024xf32>
    %reduce_min3A_1064 = vector.multi_reduction <minimumf>, %select_n3A_1062, %reduce_min3A [1] : vector<1024x128xf32> to vector<1024xf32>
    %broadcast_in_dim3A_1065 = vector.shape_cast %reduce_min3A_1064 : vector<1024xf32> to vector<1024x1xf32>
    %eq3A = vector.broadcast %broadcast_in_dim3A_1065 : vector<1024x1xf32> to vector<1024x128xf32>
    %eq3A_1066 = arith.cmpf oeq, %select_n3A_1062, %eq3A : vector<1024x128xf32>
    %jit3A = arith.constant 1.638400e+04 : f32
    %broadcast_in_dim3A_1067 = vector.broadcast %jit3A : f32 to vector<1024x128xf32>
    %select_n3A_1068 = arith.select %eq3A_1066, %select_n3A_1063, %broadcast_in_dim3A_1067 : vector<1024x128xi1>, vector<1024x128xf32>
    %reduce_min3A_1069 = arith.constant dense<0x7F800000> : vector<1024xf32>
    %reduce_min3A_1070 = vector.multi_reduction <minimumf>, %select_n3A_1068, %reduce_min3A_1069 [1] : vector<1024x128xf32> to vector<1024xf32>
    %broadcast_in_dim3A_1071 = vector.shape_cast %reduce_min3A_1070 : vector<1024xf32> to vector<1024x1xf32>
    %convert_element_type3A_1072 = arith.fptosi %broadcast_in_dim3A_1071 : vector<1024x1xf32> to vector<1024x1xi32>
    %swap3A = arith.constant 0 : index
    %swap3A_1073 = arith.constant 0 : index
    %swap3A_1074 = vector.load %arg4[%swap3A, %swap3A_1073] : memref<1024x1xi32, #tpu.memory_space<vmem>>, vector<1024x1xi32>
    tpu.vector_store %arg4[%swap3A, %swap3A_1073], %convert_element_type3A_1072 {strides = array<i32>} : memref<1024x1xi32, #tpu.memory_space<vmem>>, vector<1024x1xi32>,
    return
  }
  func.func @transform_0(%arg0: i32) -> (i32, i32) {
    %c0_i32 = arith.constant 0 : i32
    %c0_i32_0 = arith.constant 0 : i32
    %c0_i32_1 = arith.constant 0 : i32
    return %c0_i32, %c0_i32_0 : i32, i32
  }
  func.func @transform_1(%arg0: i32) -> (i32, i32) {
    %c0_i32 = arith.constant 0 : i32
    %c0_i32_0 = arith.constant 0 : i32
    return %arg0, %c0_i32 : i32, i32
  }
  func.func @transform_2(%arg0: i32) -> (i32, i32) {
    %c0_i32 = arith.constant 0 : i32
    %c0_i32_0 = arith.constant 0 : i32
    %c0_i32_1 = arith.constant 0 : i32
    return %c0_i32, %c0_i32_0 : i32, i32
  }
  func.func @transform_3(%arg0: i32) -> (i32, i32) {
    %c0_i32 = arith.constant 0 : i32
    %c0_i32_0 = arith.constant 0 : i32
    return %arg0, %c0_i32 : i32, i32
  }
}

</mosaic_0001>

<sc_bundles>
// kernel: kernel.5.cloned.1.call-start
scs
__scs_entry_jumppad:
0x0: {  	(pc) =	sbr.rel $0x88, $3  }
0x1: {  	(tag) =	ssettag $0x0;
	lr =	simm.s32 $0x1  }
0x2: {  	[smem:$0x3F9F] =	sst lr;
	_ =	strace $0xD0000000  }
0x3: {  	_ = 	snop  }
0x4: {  	_ = 	snop  }
0x5: {  	_ = 	snop  }
0x6: {  	_ = 	snop  }
0x7: {  	_ = 	snop  }
__scs_overlays_trampoline_lowered:
0x8: {  	[smem:$0x3FAE] =	sst s0  }
0x9: {  	[smem:$0x3FAF] =	sst s1  }
0xa: {  	[smem:$0x3FB0] =	sst s2  }
0xb: {  	[smem:$0x3FB1] =	sst s3  }
0xc: {  	[smem:$0x3FB2] =	sst s4  }
0xd: {  	[smem:$0x3FB3] =	sst s5  }
0xe: {  	[smem:$0x3FB4] =	sst s6  }
0xf: {  	[smem:$0x3FB5] =	sst s7  }
0x10: {  	[smem:$0x3FB6] =	sst s8  }
0x11: {  	[smem:$0x3FB7] =	sst s9;
	s0 =	simm.s32 @!p0 $0x0  }
0x12: {  	s1 =	sld [smem:$0x3F9D];
	s0 =	simm.s32 @p0 $0x1  }
0x13: {  	[smem:$0x3FB8] =	sst s0;
	s0 =	simm.s32 @!p1 $0x0  }
0x14: {  	s2 =	sld [smem:$0x3F9C];
	s0 =	simm.s32 @p1 $0x1  }
0x15: {  	[smem:$0x3FB9] =	sst s0;
	s0 =	simm.s32 @!p2 $0x0  }
0x16: {  	s3 =	sld [smem:$0x3FDB];
	s0 =	simm.s32 @p2 $0x1  }
0x17: {  	s4 =	simm.s32 $0x1BF5;
	[smem:$0x3FBB] =	sst s0  }
0x18: {  	s0 =	sld [smem:$0x3F9E];
	_ =	swait.ge [sflag:s4], $0x0  }
0x19: {  	s7 =	sld [smem:$0x3F9F]  }
0x1a: {  	s8 =	sadd.s32 $0xFFFFE003, lr  }
0x1b: {  	s9 =	sadd.s32 $0xFFFFFEF7, lr;
	s5 =	simm.s32 $0xFFFFFFFF;
	p2 =	slt.u32 s8, $0xFFFFF086  }
0x1c: {  	p1 =	slt.u32 s9, $0xF7A;
	s5 =	simm.s32 @!p2 $0x0  }
0x1d: {  	s5 =	simm.s32 @p1 $0x1;
	p0 =	seq.s32 s7, s2  }
0x1e: {  	s7 =	smul.u32 @!p0 $0xF7A, s2;
	p2 =	seq.s32 @!p0 s5, $0x0  }
0x1f: {  	s9 =	smul.u32 $0xF7A, s1;
	s8 =	simm.s32 @!p0 $0x1BF5;
	p2 =	por !p2, p0  }
0x20: {  	[sflag:s8] =	ssyncset.s32 @!p0 $0xFFFFF086;
	s6 =	sadd.s32 @!p0 s3, s7;
	s7 =	simm.s32 @!p0 $0x108  }
0x21: {  	s3 =	sadd.s32 s3, s9;
	s6 =	sadd.s32 @!p0 $0x88, s6;
	s7 =	simm.s32 @p2 $0x1082  }
0x22: {  	[simem:s7], [sflag:s8] =	dma.local @!p0 [hbm:s6], $0xF7A  }
0x23: {  	s9 =	sor.u32 $0xD0000000, s2;
	s6 =	simm.s32 $0x108;
	_ =	swait.ge @!p0 [sflag:s8], $0x0  }
0x24: {  	s3 =	sadd.s32 $0x88, s3;
	s6 =	simm.s32 @!p1 $0x1082;
	[sflag:s4] =	ssyncset.s32 $0xFFFFF086  }
0x25: {  	[simem:s6], [sflag:s4] =	dma.local [hbm:s3], $0xF7A  }
0x26: {  	[smem:$0x3F9F] =	sst s1;
	(tag) =	ssettag s2;
	_ =	strace s9  }
0x27: {  	s1 =	sld [smem:$0x3FAF]  }
0x28: {  	s2 =	sld [smem:$0x3FB0]  }
0x29: {  	s4 =	sld [smem:$0x3FB2]  }
0x2a: {  	p0 =	seq.s32 s5, $0x0;
	s5 =	sld [smem:$0x3FB3]  }
0x2b: {  	s6 =	sld [smem:$0x3FB4]  }
0x2c: {  	s7 =	sld [smem:$0x3FB5]  }
0x2d: {  	s3 =	simm.s32 $0x108;
	s8 =	sld [smem:$0x3FB6]  }
0x2e: {  	s3 =	simm.s32 @!p0 $0x1082;
	s9 =	sld [smem:$0x3FB7]  }
0x2f: {  	lr =	sadd.s32 s0, s3;
	s0 =	sld [smem:$0x3FAE]  }
0x30: {  	s3 =	sld [smem:$0x3FB1]  }
0x31: {  	[smem:$0x3FBA] =	sst s10  }
0x32: {  	s10 =	sld [smem:$0x3FB8];
	_ =	sdelay $0x3  }
0x33: {  	p0 =	seq.s32 s10, $0x1;
	s10 =	sld [smem:$0x3FBA];
	_ =	sdelay $0x3  }
0x34: {  	[smem:$0x3FBA] =	sst s10  }
0x35: {  	s10 =	sld [smem:$0x3FB9];
	_ =	sdelay $0x3  }
0x36: {  	p1 =	seq.s32 s10, $0x1;
	s10 =	sld [smem:$0x3FBA];
	_ =	sdelay $0x3  }
0x37: {  	[smem:$0x3FBA] =	sst s10  }
0x38: {  	s10 =	sld [smem:$0x3FBB]  }
0x39: {  	_ = 	snop;
	(pc) =	sbr.ind lr, $3  }
0x3a: {  	_ = 	snop  }
0x3b: {  	_ = 	snop  }
0x3c: {  	p2 =	seq.s32 s10, $0x1;
	s10 =	sld [smem:$0x3FBA]  }
0x3d: {  	_ =	shalt  }
0x3e: {  	_ =	shalt  }
0x3f: {  	_ =	shalt  }
0x40: {  	_ =	shalt  }
0x41: {  	_ =	shalt  }
0x42: {  	_ =	shalt  }
0x43: {  	_ =	shalt  }
0x44: {  	_ =	shalt  }
0x45: {  	_ =	shalt  }
0x46: {  	_ =	shalt  }
0x47: {  	_ =	shalt  }
0x48: {  	_ =	shalt  }
0x49: {  	_ =	shalt  }
0x4a: {  	_ =	shalt  }
0x4b: {  	_ =	shalt  }
0x4c: {  	_ =	shalt  }
0x4d: {  	_ =	shalt  }
0x4e: {  	_ =	shalt  }
0x4f: {  	_ =	shalt  }
0x50: {  	_ =	shalt  }
0x51: {  	_ =	shalt  }
0x52: {  	_ =	shalt  }
0x53: {  	_ =	shalt  }
0x54: {  	_ =	shalt  }
0x55: {  	_ =	shalt  }
0x56: {  	_ =	shalt  }
0x57: {  	_ =	shalt  }
0x58: {  	_ =	shalt  }
0x59: {  	_ =	shalt  }
0x5a: {  	_ =	shalt  }
0x5b: {  	_ =	shalt  }
0x5c: {  	_ =	shalt  }
0x5d: {  	_ =	shalt  }
0x5e: {  	_ =	shalt  }
0x5f: {  	_ =	shalt  }
0x60: {  	_ =	shalt  }
0x61: {  	_ =	shalt  }
0x62: {  	_ =	shalt  }
0x63: {  	_ =	shalt  }
0x64: {  	_ =	shalt  }
0x65: {  	_ =	shalt  }
0x66: {  	_ =	shalt  }
0x67: {  	_ =	shalt  }
0x68: {  	_ =	shalt  }
0x69: {  	_ =	shalt  }
0x6a: {  	_ =	shalt  }
0x6b: {  	_ =	shalt  }
0x6c: {  	_ =	shalt  }
0x6d: {  	_ =	shalt  }
0x6e: {  	_ =	shalt  }
0x6f: {  	_ =	shalt  }
0x70: {  	_ =	shalt  }
0x71: {  	_ =	shalt  }
0x72: {  	_ =	shalt  }
0x73: {  	_ =	shalt  }
0x74: {  	_ =	shalt  }
0x75: {  	_ =	shalt  }
0x76: {  	_ =	shalt  }
0x77: {  	_ =	shalt  }
0x78: {  	_ =	shalt  }
0x79: {  	_ =	shalt  }
0x7a: {  	_ =	shalt  }
0x7b: {  	_ =	shalt  }
0x7c: {  	_ =	shalt  }
0x7d: {  	_ =	shalt  }
0x7e: {  	_ =	shalt  }
0x7f: {  	_ =	shalt  }
0x80: {  	_ =	shalt  }
0x81: {  	_ =	shalt  }
0x82: {  	_ =	shalt  }
0x83: {  	_ =	shalt  }
0x84: {  	_ =	shalt  }
0x85: {  	_ =	shalt  }
0x86: {  	_ =	shalt  }
0x87: {  	_ =	shalt  }
.Lfunc_end0:
.L_simem_size_0:
called_computation_lowered:
.L_overlay_start_0:
0x88: {  	s2 =	sld [smem:$0x3FD9]  }
0x89: {  	s3 =	sld [smem:$0x3FFE];
	_ =	sdelay $0x1  }
0x8a: {  	s1 =	srdreg.scid  }
0x8b: {  	s0 =	sand.u32 $0x1, s1  }
0x8c: {  	s14 =	sshll.u32 s0, $0xA;
	s2 =	sadd.s32 s3, s2  }
0x8d: {  	s2 =	sadd.s32 s2, s14  }
0x8e: {  	[smem:$0x3FC6] =	sst s2  }
0x8f: {  	_ = 	snop  }
0x90: {  	s2 =	sld [smem:$0x3FD0];
	_ =	sdelay $0x2  }
0x91: {  	s4 =	simm.s32 $0xA;
	s5 =	simm.s32 $0x10;
	s15 =	sld [smem:$0x3FC8]  }
0x92: {  	[smem:s5], [sflag:s4] =	dma.local [hbm:s2], $0x1  }
0x93: {  	_ =	swait.eq [sflag:s4], $0x1  }
0x94: {  	[sflag:s4] =	ssyncset.done $0x0  }
0x95: {  	[sflag:s4] =	ssyncadd.s32 $0xFFFFFFFF  }
0x96: {  	s16 =	sld [smem:$0x11];
	(tm) =	ssettm $0x1  }
0x97: {  	s17 =	sld [smem:$0x3FFB];
	_ =	sdelay $0x3  }
0x98: {  	_ =	strace s17  }
0x99: {  	s4 =	sld [smem:$0x3FFC];
	_ =	sdelay $0x3  }
0x9a: {  	_ =	strace s4  }
0x9b: {  	s4 =	sld [smem:$0x3FFD];
	_ =	sdelay $0x3  }
0x9c: {  	_ =	strace s4  }
0x9d: {  	_ =	strace $0x8FFFFFFF  }
0x9e: {  	s18 =	sld [smem:$0x3FDB];
	_ =	sdelay $0x1  }
0x9f: {  	s19 =	simm.s32 $_scs_section_size  }
0xa0: {  	s6 =	simm.s32 $_size__tile_overlayer_lowered;
	s7 =	simm.s32 $_tile_overlayer_lowered  }
0xa1: {  	s22 =	simm.s32 $0x1BFF;
	s21 =	sshll.u32 s7, $0x1;
	s4 =	sadd.s32 s19, s18  }
0xa2: {  	s8 =	simm.s32 $0x0;
	s20 =	sshll.u32 s6, $0x1;
	s6 =	sadd.s32 s21, s4  }
0xa3: {  	[timem:s8], [sflag:s22] =	dma.local [hbm:s6], s20  }
0xa4: {  	_ =	swait.ge [sflag:s22], s20  }
0xa5: {  	s5 =	ssub.s32 $0x0, s20;
	[sflag:s22] =	ssyncset.done $0x0  }
0xa6: {  	[sflag:s22] =	ssyncadd.s32 s5;
	_ =	sdelay $0x1  }
0xa7: {  	s23 =	simm.s32 $0x1B8B  }
0xa8: {  	_ =	swait.ge [sflag:s23], $0x1  }
0xa9: {  	[sflag:s23] =	ssyncset.done $0x0  }
0xaa: {  	s25 =	simm.s32 $0x1B8E;
	s24 =	sld [smem:$0x3FFE];
	[sflag:s23] =	ssyncadd.s32 $0xFFFFFFFF  }
0xab: {  	s26 =	simm.s32 $execute0_lowered;
	[smem:$0x3FD2] =	sst s25  }
0xac: {  	s6 =	sshll.u32 s26, $0x1;
	_ =	strace $0x80000046;
	[dreg:$0x1] =	wrdreg $0xFFFFFFFF  }
0xad: {  	s28 =	simm.s32 $_size_execute0_lowered;
	s4 =	sadd.s32 s4, s6;
	[dreg:$0x0] =	wrdreg $0x0  }
0xae: {  	s6 =	sshll.u32 s28, $0x1;
	[dreg:$0x2] =	wrdreg s4  }
0xaf: {  	[dreg:$0x3] =	wrdreg s6  }
0xb0: {  	[dreg:$0x4] =	wrdreg $0xC0  }
0xb1: {  	_ =	task [dreg:s8], $0x5FFFF  }
0xb2: {  	[dreg:$0x1] =	wrdreg $0xFFFFFFFF  }
0xb3: {  	[dreg:$0x0] =	wrdreg $0x60  }
0xb4: {  	[dreg:$0x2] =	wrdreg s15  }
0xb5: {  	[dreg:$0x3] =	wrdreg s16  }
0xb6: {  	[dreg:$0x4] =	wrdreg s24  }
0xb7: {  	[dreg:$0x5] =	wrdreg $0x9  }
0xb8: {  	_ =	task.clear_ibuf [dreg:s8], $0x6FFFF;
	_ =	strace $0x90000046  }
0xb9: {  	s29 =	simm.s32 $0x9;
	_ =	strace $0x80000048  }
0xba: {  	_ =	swait.ge [sflag:s29], $0x1  }
0xbb: {  	[sflag:s29] =	ssyncadd.s32 $0xFFFFFFFF  }
0xbc: {  	_ =	strace $0x90000048  }
0xbd: {  	_ =	sfence  }
0xbe: {  	s30 =	sld [smem:$0x0];
	_ =	sdelay $0x2  }
0xbf: {  	s31 =	sshll.u32 s1, $0xD;
	s1 =	sshrl.u32 s1, $0x2  }
0xc0: {  	s3 =	sand.u32 $0x4000, s31;
	s1 =	sadd.s32 s1, s30  }
0xc1: {  	s0 =	sor.u32 s3, s0;
	s1 =	sshll.u32 s1, $0x11  }
0xc2: {  	s0 =	sor.u32 s1, s0  }
0xc3: {  	s0 =	sadd.s32 $0x8F2B, s0  }
0xc4: {  	[sflag:s0] =	ssyncadd.remote.s32 $0x1  }
0xc5: {  	_ =	sfence.sel $0xFFFF  }
0xc6: {  	[dreg:$0x0] =	wrdreg $0xFFFFFFFF;
	(pc) =	sbr.abs _section_cstart, $3  }
0xc7: {  	[dreg:$0x1] =	wrdreg $0xFFFFFFFF  }
0xc8: {  	_ =	task.clear_ibuf [dreg:s8], $0x2FFFF;
	_ =	strace $0x9FFFFFFF  }
0xc9: {  	(tm) =	ssettm $0x7FFFFFFF  }
tec
execute0_lowered:
.L_overlay_start_1:
0x0: {  	(tag) =	ssettag $0x1  }
0x1: {  	s1 =	rddreg [dreg:$0x0]  }
0x2: {  	s0 =	rddreg [dreg:$0x1]  }
0x3: {  	s2 =	rddreg [dreg:$0x2]  }
0x4: {  	s3 =	simm.s32 $0x0;
	s4 =	srdreg.scid;
	s8 =	stileid.u32  }
0x5: {  	s13 =	simm.s32 $0x2;
	s15 =	simm.s32 $0xA00;
	s16 =	simm.s32 $0x1200  }
0x6: {  	s17 =	simm.s32 $0x1A00;
	s18 =	simm.s32 $0x2200;
	s19 =	simm.s32 $0x2A00  }
0x7: {  	s28 =	simm.s32 $0x6200;
	s29 =	simm.s32 $0x6A00;
	s30 =	simm.s32 $0x7200  }
0x8: {  	s31 =	simm.s32 $0x7A00;
	s9 =	simm.s32 $0xAA00;
	s10 =	simm.s32 $0xB200  }
0x9: {  	s11 =	simm.s32 $0xBA00;
	[smem:$0x7FF] =	sst s3;
	s4 =	sand.u32 $0x1, s4  }
0xa: {  	s5 =	sshll.u32 s8, $0xF;
	s20 =	sshll.u32 s8, $0x7;
	s8 =	simm.s32 $0xA200  }
0xb: {  	s6 =	sshll.u32 s4, $0xE;
	s7 =	sshll.u32 s4, $0x6;
	_ =	strace $0x80000047  }
0xc: {  	s4 =	ssub.s32 $0x2, s4;
	s5 =	sor.u32 s6, s5;
	s0 =	sadd.s32 s0, s7  }
0xd: {  	s24 =	sshrl.u32 s4, $0x1;
	s7 =	simm.s32 $0x9A00;
	s2 =	sadd.s32 s5, s2  }
0xe: {  	s0 =	sadd.s32 s20, s0;
	s26 =	ssub.s32 s4, s24;
	s5 =	simm.s32 $0x3  }
0xf: {  	s20 =	simm.s32 $0x3200;
	[dreg:$0x4] =	wrdreg s0;
	s21 =	sadd.s32 $0xC00, s2  }
0x10: {  	s24 =	simm.s32 $0x4A00;
	s22 =	sadd.s32 $0x1C00, s2;
	[dreg:$0x5] =	wrdreg s21  }
0x11: {  	s23 =	sadd.s32 $0x2C00, s2;
	s25 =	sadd.s32 $0x3C00, s2;
	[dreg:$0x6] =	wrdreg s22  }
0x12: {  	v2 =	vlaneseq.u32;
	s4 =	smax.u32 s26, $0x1;
	s2 =	simm.s32 $0x1;
	[dreg:$0x7] =	wrdreg s23  }
0x13: {  	vm0 =	vmmov $0xffff;
	v1 =	vshrl.u32 v2, $0x3;
	s26 =	simm.s32 $0x5A00;
	[dreg:$0x8] =	wrdreg s25;
	s21 =	simm.s32 $0x3A00  }
0x14: {  	v0 =	vand.u32 $0x7, v2;
	v2 =	vor.u32 $0x8, v2;
	v1 =	vmul.u32 $0x8, v1;
	s23 =	simm.s32 $0x4200;
	s25 =	simm.s32 $0x5200;
	s22 =	simm.s32 $0x8A00  }
.LBB2_1:
0x15: {  	s14 =	rddreg [dreg:$0x4]  }
0x16: {  	[tilespmem:s3], [sflag:$0x3] =	stream.linear.gather [hbm4b:s14+s3], $0x200, $0x38;
	[tilespmem:$0x10200] =	vst v63  }
0x17: {  	_ =	swait.ge [sflag:s5], $0x200  }
0x18: {  	[sflag:s5] =	ssyncset.done $0x0  }
0x19: {  	[sflag:s5] =	ssyncadd.s32 $0xFFFFFE00  }
0x1a: {  	v3 =	vld [tilespmem:$0x0];
	_ =	sdelay $0x4  }
0x1b: {  	v4 =	vshll.u32 v3, $0x1  }
0x1c: {  	v3 =	vand.u32 $0x7, v3;
	v4 =	vand.u32 $0xFFFFFFF0, v4  }
0x1d: {  	v3 =	vor.u32 v3, v4  }
0x1e: {  	v4 =	vperm.xlane v3, v0;
	_ =	sdelay $0x1  }
0x1f: {  	v3 =	vperm.xlane v3, v2;
	v4 =	vadd.s32 v1, v4;
	_ =	sdelay $0x1  }
0x20: {  	v3 =	vadd.s32 v1, v3;
	_ =	sdelay $0x1  }
0x21: {  	s0 =	simm.s32 $0x200  }
0x22: {  	[tilespmem:s0], [sflag:$0x1] =	stream.indirect_vreg.gather [hbm4b:s1+s3], $0x80, v4, vm0, $0xb8;
	[tilespmem:$0x10200] =	vst v63  }
0x23: {  	_ = 	snop  }
0x24: {  	[tilespmem:s15], [sflag:$0x1] =	stream.indirect_vreg.gather [hbm4b:s1+s3], $0x80, v3, vm0, $0xb8;
	[tilespmem:$0x10200] =	vst v63  }
0x25: {  	v3 =	vld [tilespmem:$0x10];
	_ =	sdelay $0x4  }
0x26: {  	v33 =	vshll.u32 v3, $0x1  }
0x27: {  	v3 =	vand.u32 $0x7, v3;
	v4 =	vand.u32 $0xFFFFFFF0, v33  }
0x28: {  	v3 =	vor.u32 v3, v4  }
0x29: {  	v4 =	vperm.xlane v3, v0;
	_ =	sdelay $0x1  }
0x2a: {  	v3 =	vperm.xlane v3, v2;
	v4 =	vadd.s32 v1, v4;
	_ =	sdelay $0x1  }
0x2b: {  	v3 =	vadd.s32 v1, v3;
	_ =	sdelay $0x2  }
0x2c: {  	[tilespmem:s16], [sflag:$0x1] =	stream.indirect_vreg.gather [hbm4b:s1+s3], $0x80, v4, vm0, $0xb8;
	[tilespmem:$0x10200] =	vst v63  }
0x2d: {  	_ = 	snop  }
0x2e: {  	[tilespmem:s17], [sflag:$0x1] =	stream.indirect_vreg.gather [hbm4b:s1+s3], $0x80, v3, vm0, $0xb8;
	[tilespmem:$0x10200] =	vst v63  }
0x2f: {  	v3 =	vld [tilespmem:$0x20];
	_ =	sdelay $0x4  }
0x30: {  	v34 =	vshll.u32 v3, $0x1  }
0x31: {  	v3 =	vand.u32 $0x7, v3;
	v4 =	vand.u32 $0xFFFFFFF0, v34  }
0x32: {  	v3 =	vor.u32 v3, v4  }
0x33: {  	v4 =	vperm.xlane v3, v0;
	_ =	sdelay $0x1  }
0x34: {  	v3 =	vperm.xlane v3, v2;
	v4 =	vadd.s32 v1, v4;
	_ =	sdelay $0x1  }
0x35: {  	v3 =	vadd.s32 v1, v3;
	_ =	sdelay $0x2  }
0x36: {  	[tilespmem:s18], [sflag:$0x1] =	stream.indirect_vreg.gather [hbm4b:s1+s3], $0x80, v4, vm0, $0xb8;
	[tilespmem:$0x10200] =	vst v63  }
0x37: {  	_ = 	snop  }
0x38: {  	[tilespmem:s19], [sflag:$0x1] =	stream.indirect_vreg.gather [hbm4b:s1+s3], $0x80, v3, vm0, $0xb8;
	[tilespmem:$0x10200] =	vst v63  }
0x39: {  	v3 =	vld [tilespmem:$0x30];
	_ =	sdelay $0x4  }
0x3a: {  	v35 =	vshll.u32 v3, $0x1  }
0x3b: {  	v3 =	vand.u32 $0x7, v3;
	v4 =	vand.u32 $0xFFFFFFF0, v35  }
0x3c: {  	v3 =	vor.u32 v3, v4  }
0x3d: {  	v4 =	vperm.xlane v3, v0;
	_ =	sdelay $0x1  }
0x3e: {  	v3 =	vperm.xlane v3, v2;
	v4 =	vadd.s32 v1, v4;
	_ =	sdelay $0x1  }
0x3f: {  	v3 =	vadd.s32 v1, v3;
	_ =	sdelay $0x2  }
0x40: {  	[tilespmem:s20], [sflag:$0x1] =	stream.indirect_vreg.gather [hbm4b:s1+s3], $0x80, v4, vm0, $0xb8;
	[tilespmem:$0x10200] =	vst v63  }
0x41: {  	_ = 	snop  }
0x42: {  	[tilespmem:s21], [sflag:$0x1] =	stream.indirect_vreg.gather [hbm4b:s1+s3], $0x80, v3, vm0, $0xb8;
	[tilespmem:$0x10200] =	vst v63  }
0x43: {  	v3 =	vld [tilespmem:$0x40];
	_ =	sdelay $0x4  }
0x44: {  	v36 =	vshll.u32 v3, $0x1  }
0x45: {  	v3 =	vand.u32 $0x7, v3;
	v4 =	vand.u32 $0xFFFFFFF0, v36  }
0x46: {  	v3 =	vor.u32 v3, v4  }
0x47: {  	v4 =	vperm.xlane v3, v0;
	_ =	sdelay $0x1  }
0x48: {  	v3 =	vperm.xlane v3, v2;
	v4 =	vadd.s32 v1, v4;
	_ =	sdelay $0x1  }
0x49: {  	v3 =	vadd.s32 v1, v3;
	_ =	sdelay $0x2  }
0x4a: {  	[tilespmem:s23], [sflag:$0x1] =	stream.indirect_vreg.gather [hbm4b:s1+s3], $0x80, v4, vm0, $0xb8;
	[tilespmem:$0x10200] =	vst v63  }
0x4b: {  	_ = 	snop  }
0x4c: {  	[tilespmem:s24], [sflag:$0x1] =	stream.indirect_vreg.gather [hbm4b:s1+s3], $0x80, v3, vm0, $0xb8;
	[tilespmem:$0x10200] =	vst v63  }
0x4d: {  	v3 =	vld [tilespmem:$0x50];
	_ =	sdelay $0x4  }
0x4e: {  	v37 =	vshll.u32 v3, $0x1  }
0x4f: {  	v3 =	vand.u32 $0x7, v3;
	v4 =	vand.u32 $0xFFFFFFF0, v37  }
0x50: {  	v3 =	vor.u32 v3, v4  }
0x51: {  	v4 =	vperm.xlane v3, v0;
	_ =	sdelay $0x1  }
0x52: {  	v3 =	vperm.xlane v3, v2;
	v4 =	vadd.s32 v1, v4;
	_ =	sdelay $0x1  }
0x53: {  	v3 =	vadd.s32 v1, v3;
	_ =	sdelay $0x2  }
0x54: {  	[tilespmem:s25], [sflag:$0x1] =	stream.indirect_vreg.gather [hbm4b:s1+s3], $0x80, v4, vm0, $0xb8;
	[tilespmem:$0x10200] =	vst v63  }
0x55: {  	_ = 	snop  }
0x56: {  	[tilespmem:s26], [sflag:$0x1] =	stream.indirect_vreg.gather [hbm4b:s1+s3], $0x80, v3, vm0, $0xb8;
	[tilespmem:$0x10200] =	vst v63  }
0x57: {  	v3 =	vld [tilespmem:$0x60];
	_ =	sdelay $0x4  }
0x58: {  	v38 =	vshll.u32 v3, $0x1  }
0x59: {  	v3 =	vand.u32 $0x7, v3;
	v4 =	vand.u32 $0xFFFFFFF0, v38  }
0x5a: {  	v3 =	vor.u32 v3, v4  }
0x5b: {  	v4 =	vperm.xlane v3, v0;
	_ =	sdelay $0x1  }
0x5c: {  	v3 =	vperm.xlane v3, v2;
	v4 =	vadd.s32 v1, v4;
	_ =	sdelay $0x1  }
0x5d: {  	v3 =	vadd.s32 v1, v3;
	_ =	sdelay $0x2  }
0x5e: {  	[tilespmem:s28], [sflag:$0x1] =	stream.indirect_vreg.gather [hbm4b:s1+s3], $0x80, v4, vm0, $0xb8;
	[tilespmem:$0x10200] =	vst v63  }
0x5f: {  	_ = 	snop  }
0x60: {  	[tilespmem:s29], [sflag:$0x1] =	stream.indirect_vreg.gather [hbm4b:s1+s3], $0x80, v3, vm0, $0xb8;
	[tilespmem:$0x10200] =	vst v63  }
0x61: {  	v3 =	vld [tilespmem:$0x70];
	_ =	sdelay $0x4  }
0x62: {  	v39 =	vshll.u32 v3, $0x1  }
0x63: {  	v3 =	vand.u32 $0x7, v3;
	v4 =	vand.u32 $0xFFFFFFF0, v39  }
0x64: {  	v3 =	vor.u32 v3, v4  }
0x65: {  	v4 =	vperm.xlane v3, v0;
	_ =	sdelay $0x1  }
0x66: {  	v3 =	vperm.xlane v3, v2;
	v4 =	vadd.s32 v1, v4;
	_ =	sdelay $0x1  }
0x67: {  	v3 =	vadd.s32 v1, v3;
	_ =	sdelay $0x2  }
0x68: {  	[tilespmem:s30], [sflag:$0x1] =	stream.indirect_vreg.gather [hbm4b:s1+s3], $0x80, v4, vm0, $0xb8;
	[tilespmem:$0x10200] =	vst v63  }
0x69: {  	_ = 	snop  }
0x6a: {  	[tilespmem:s31], [sflag:$0x1] =	stream.indirect_vreg.gather [hbm4b:s1+s3], $0x80, v3, vm0, $0xb8;
	[tilespmem:$0x10200] =	vst v63  }
0x6b: {  	v3 =	vld [tilespmem:$0x80];
	_ =	sdelay $0x4  }
0x6c: {  	v40 =	vshll.u32 v3, $0x1  }
0x6d: {  	v3 =	vand.u32 $0x7, v3;
	v4 =	vand.u32 $0xFFFFFFF0, v40  }
0x6e: {  	v3 =	vor.u32 v3, v4  }
0x6f: {  	v4 =	vperm.xlane v3, v0;
	_ =	sdelay $0x1  }
0x70: {  	v3 =	vperm.xlane v3, v2;
	v4 =	vadd.s32 v1, v4;
	_ =	sdelay $0x1  }
0x71: {  	v3 =	vadd.s32 v1, v3;
	_ =	sdelay $0x1  }
0x72: {  	s0 =	simm.s32 $0x8200  }
0x73: {  	[tilespmem:s0], [sflag:$0x2] =	stream.indirect_vreg.gather [hbm4b:s1+s3], $0x80, v4, vm0, $0xb8;
	[tilespmem:$0x10200] =	vst v63  }
0x74: {  	_ = 	snop  }
0x75: {  	[tilespmem:s22], [sflag:$0x2] =	stream.indirect_vreg.gather [hbm4b:s1+s3], $0x80, v3, vm0, $0xb8;
	[tilespmem:$0x10200] =	vst v63  }
0x76: {  	v3 =	vld [tilespmem:$0x90];
	_ =	sdelay $0x4  }
0x77: {  	v41 =	vshll.u32 v3, $0x1  }
0x78: {  	v3 =	vand.u32 $0x7, v3;
	v4 =	vand.u32 $0xFFFFFFF0, v41  }
0x79: {  	v3 =	vor.u32 v3, v4  }
0x7a: {  	v4 =	vperm.xlane v3, v0;
	_ =	sdelay $0x1  }
0x7b: {  	v3 =	vperm.xlane v3, v2;
	v4 =	vadd.s32 v1, v4;
	_ =	sdelay $0x1  }
0x7c: {  	v3 =	vadd.s32 v1, v3;
	_ =	sdelay $0x1  }
0x7d: {  	s6 =	simm.s32 $0x9200  }
0x7e: {  	[tilespmem:s6], [sflag:$0x2] =	stream.indirect_vreg.gather [hbm4b:s1+s3], $0x80, v4, vm0, $0xb8;
	[tilespmem:$0x10200] =	vst v63  }
0x7f: {  	_ = 	snop  }
0x80: {  	[tilespmem:s7], [sflag:$0x2] =	stream.indirect_vreg.gather [hbm4b:s1+s3], $0x80, v3, vm0, $0xb8;
	[tilespmem:$0x10200] =	vst v63  }
0x81: {  	v3 =	vld [tilespmem:$0xA0];
	_ =	sdelay $0x4  }
0x82: {  	v42 =	vshll.u32 v3, $0x1  }
0x83: {  	v3 =	vand.u32 $0x7, v3;
	v4 =	vand.u32 $0xFFFFFFF0, v42  }
0x84: {  	v3 =	vor.u32 v3, v4  }
0x85: {  	v4 =	vperm.xlane v3, v0;
	_ =	sdelay $0x1  }
0x86: {  	v3 =	vperm.xlane v3, v2;
	v4 =	vadd.s32 v1, v4;
	_ =	sdelay $0x1  }
0x87: {  	v3 =	vadd.s32 v1, v3;
	_ =	sdelay $0x2  }
0x88: {  	[tilespmem:s8], [sflag:$0x2] =	stream.indirect_vreg.gather [hbm4b:s1+s3], $0x80, v4, vm0, $0xb8;
	[tilespmem:$0x10200] =	vst v63  }
0x89: {  	_ = 	snop  }
0x8a: {  	[tilespmem:s9], [sflag:$0x2] =	stream.indirect_vreg.gather [hbm4b:s1+s3], $0x80, v3, vm0, $0xb8;
	[tilespmem:$0x10200] =	vst v63  }
0x8b: {  	v3 =	vld [tilespmem:$0xB0];
	_ =	sdelay $0x4  }
0x8c: {  	v43 =	vshll.u32 v3, $0x1  }
0x8d: {  	v3 =	vand.u32 $0x7, v3;
	v4 =	vand.u32 $0xFFFFFFF0, v43  }
0x8e: {  	v3 =	vor.u32 v3, v4  }
0x8f: {  	v4 =	vperm.xlane v3, v0;
	_ =	sdelay $0x1  }
0x90: {  	v3 =	vperm.xlane v3, v2;
	v4 =	vadd.s32 v1, v4;
	_ =	sdelay $0x1  }
0x91: {  	v3 =	vadd.s32 v1, v3;
	_ =	sdelay $0x2  }
0x92: {  	[tilespmem:s10], [sflag:$0x2] =	stream.indirect_vreg.gather [hbm4b:s1+s3], $0x80, v4, vm0, $0xb8;
	[tilespmem:$0x10200] =	vst v63  }
0x93: {  	_ = 	snop  }
0x94: {  	[tilespmem:s11], [sflag:$0x2] =	stream.indirect_vreg.gather [hbm4b:s1+s3], $0x80, v3, vm0, $0xb8;
	[tilespmem:$0x10200] =	vst v63  }
0x95: {  	v3 =	vld [tilespmem:$0xC0];
	_ =	sdelay $0x4  }
0x96: {  	v44 =	vshll.u32 v3, $0x1  }
0x97: {  	v3 =	vand.u32 $0x7, v3;
	v4 =	vand.u32 $0xFFFFFFF0, v44  }
0x98: {  	v3 =	vor.u32 v3, v4  }
0x99: {  	v4 =	vperm.xlane v3, v0;
	_ =	sdelay $0x1  }
0x9a: {  	v3 =	vperm.xlane v3, v2;
	v4 =	vadd.s32 v1, v4;
	_ =	sdelay $0x1  }
0x9b: {  	v3 =	vadd.s32 v1, v3;
	_ =	sdelay $0x1  }
0x9c: {  	s6 =	simm.s32 $0xC200  }
0x9d: {  	[tilespmem:s6], [sflag:$0x2] =	stream.indirect_vreg.gather [hbm4b:s1+s3], $0x80, v4, vm0, $0xb8;
	[tilespmem:$0x10200] =	vst v63  }
0x9e: {  	s12 =	simm.s32 $0xCA00  }
0x9f: {  	[tilespmem:s12], [sflag:$0x2] =	stream.indirect_vreg.gather [hbm4b:s1+s3], $0x80, v3, vm0, $0xb8;
	[tilespmem:$0x10200] =	vst v63  }
0xa0: {  	v3 =	vld [tilespmem:$0xD0];
	_ =	sdelay $0x4  }
0xa1: {  	v45 =	vshll.u32 v3, $0x1  }
0xa2: {  	v3 =	vand.u32 $0x7, v3;
	v4 =	vand.u32 $0xFFFFFFF0, v45  }
0xa3: {  	v3 =	vor.u32 v3, v4  }
0xa4: {  	v4 =	vperm.xlane v3, v0;
	_ =	sdelay $0x1  }
0xa5: {  	v3 =	vperm.xlane v3, v2;
	v4 =	vadd.s32 v1, v4;
	_ =	sdelay $0x1  }
0xa6: {  	v3 =	vadd.s32 v1, v3;
	_ =	sdelay $0x1  }
0xa7: {  	s14 =	simm.s32 $0xD200  }
0xa8: {  	[tilespmem:s14], [sflag:$0x2] =	stream.indirect_vreg.gather [hbm4b:s1+s3], $0x80, v4, vm0, $0xb8;
	[tilespmem:$0x10200] =	vst v63  }
0xa9: {  	s14 =	simm.s32 $0xDA00  }
0xaa: {  	[tilespmem:s14], [sflag:$0x2] =	stream.indirect_vreg.gather [hbm4b:s1+s3], $0x80, v3, vm0, $0xb8;
	[tilespmem:$0x10200] =	vst v63  }
0xab: {  	v3 =	vld [tilespmem:$0xE0];
	_ =	sdelay $0x4  }
0xac: {  	v46 =	vshll.u32 v3, $0x1  }
0xad: {  	v3 =	vand.u32 $0x7, v3;
	v4 =	vand.u32 $0xFFFFFFF0, v46  }
0xae: {  	v3 =	vor.u32 v3, v4  }
0xaf: {  	v4 =	vperm.xlane v3, v0;
	_ =	sdelay $0x1  }
0xb0: {  	v3 =	vperm.xlane v3, v2;
	v4 =	vadd.s32 v1, v4;
	_ =	sdelay $0x1  }
0xb1: {  	v3 =	vadd.s32 v1, v3;
	_ =	sdelay $0x1  }
0xb2: {  	s14 =	simm.s32 $0xE200  }
0xb3: {  	[tilespmem:s14], [sflag:$0x2] =	stream.indirect_vreg.gather [hbm4b:s1+s3], $0x80, v4, vm0, $0xb8;
	[tilespmem:$0x10200] =	vst v63  }
0xb4: {  	s14 =	simm.s32 $0xEA00  }
0xb5: {  	[tilespmem:s14], [sflag:$0x2] =	stream.indirect_vreg.gather [hbm4b:s1+s3], $0x80, v3, vm0, $0xb8;
	[tilespmem:$0x10200] =	vst v63  }
0xb6: {  	v3 =	vld [tilespmem:$0xF0];
	_ =	sdelay $0x4  }
0xb7: {  	v47 =	vshll.u32 v3, $0x1  }
0xb8: {  	v3 =	vand.u32 $0x7, v3;
	v4 =	vand.u32 $0xFFFFFFF0, v47  }
0xb9: {  	v3 =	vor.u32 v3, v4  }
0xba: {  	v4 =	vperm.xlane v3, v0;
	_ =	sdelay $0x1  }
0xbb: {  	v3 =	vperm.xlane v3, v2;
	v4 =	vadd.s32 v1, v4;
	_ =	sdelay $0x1  }
0xbc: {  	v3 =	vadd.s32 v1, v3;
	_ =	sdelay $0x1  }
0xbd: {  	s14 =	simm.s32 $0xF200  }
0xbe: {  	[tilespmem:s14], [sflag:$0x2] =	stream.indirect_vreg.gather [hbm4b:s1+s3], $0x80, v4, vm0, $0xb8;
	[tilespmem:$0x10200] =	vst v63  }
0xbf: {  	s14 =	simm.s32 $0xFA00  }
0xc0: {  	[tilespmem:s14], [sflag:$0x2] =	stream.indirect_vreg.gather [hbm4b:s1+s3], $0x80, v3, vm0, $0xb8;
	[tilespmem:$0x10200] =	vst v63  }
0xc1: {  	_ =	swait.ge [sflag:s2], $0x8000  }
0xc2: {  	[sflag:s2] =	ssyncset.done $0x0  }
0xc3: {  	s12 =	simm.s32 $0x200;
	s14 =	rddreg [dreg:$0x5];
	[sflag:s2] =	ssyncadd.s32 $0xFFFF8000  }
0xc4: {  	[hbm4b:s14+s3] =	stream.linear.scatter [tilespmem:s12], [sflag:$0x3], $0x8000, $0x38;
	[tilespmem:$0x10200] =	vst v63  }
0xc5: {  	_ =	swait.ge [sflag:s5], $0x8000  }
0xc6: {  	[sflag:s5] =	ssyncset.done $0x0  }
0xc7: {  	[sflag:s5] =	ssyncadd.s32 $0xFFFF8000  }
0xc8: {  	v3 =	vld [tilespmem:$0x100];
	_ =	sdelay $0x4  }
0xc9: {  	v48 =	vshll.u32 v3, $0x1  }
0xca: {  	v3 =	vand.u32 $0x7, v3;
	v4 =	vand.u32 $0xFFFFFFF0, v48  }
0xcb: {  	v3 =	vor.u32 v3, v4  }
0xcc: {  	v4 =	vperm.xlane v3, v0;
	_ =	sdelay $0x1  }
0xcd: {  	v3 =	vperm.xlane v3, v2;
	v4 =	vadd.s32 v1, v4;
	_ =	sdelay $0x1  }
0xce: {  	v3 =	vadd.s32 v1, v3;
	_ =	sdelay $0x2  }
0xcf: {  	[tilespmem:s12], [sflag:$0x1] =	stream.indirect_vreg.gather [hbm4b:s1+s3], $0x80, v4, vm0, $0xb8;
	[tilespmem:$0x10200] =	vst v63  }
0xd0: {  	_ = 	snop  }
0xd1: {  	[tilespmem:s15], [sflag:$0x1] =	stream.indirect_vreg.gather [hbm4b:s1+s3], $0x80, v3, vm0, $0xb8;
	[tilespmem:$0x10200] =	vst v63  }
0xd2: {  	v3 =	vld [tilespmem:$0x110];
	_ =	sdelay $0x4  }
0xd3: {  	v49 =	vshll.u32 v3, $0x1  }
0xd4: {  	v3 =	vand.u32 $0x7, v3;
	v4 =	vand.u32 $0xFFFFFFF0, v49  }
0xd5: {  	v3 =	vor.u32 v3, v4  }
0xd6: {  	v4 =	vperm.xlane v3, v0;
	_ =	sdelay $0x1  }
0xd7: {  	v3 =	vperm.xlane v3, v2;
	v4 =	vadd.s32 v1, v4;
	_ =	sdelay $0x1  }
0xd8: {  	v3 =	vadd.s32 v1, v3;
	_ =	sdelay $0x2  }
0xd9: {  	[tilespmem:s16], [sflag:$0x1] =	stream.indirect_vreg.gather [hbm4b:s1+s3], $0x80, v4, vm0, $0xb8;
	[tilespmem:$0x10200] =	vst v63  }
0xda: {  	_ = 	snop  }
0xdb: {  	[tilespmem:s17], [sflag:$0x1] =	stream.indirect_vreg.gather [hbm4b:s1+s3], $0x80, v3, vm0, $0xb8;
	[tilespmem:$0x10200] =	vst v63  }
0xdc: {  	v3 =	vld [tilespmem:$0x120];
	_ =	sdelay $0x4  }
0xdd: {  	v50 =	vshll.u32 v3, $0x1  }
0xde: {  	v3 =	vand.u32 $0x7, v3;
	v4 =	vand.u32 $0xFFFFFFF0, v50  }
0xdf: {  	v3 =	vor.u32 v3, v4  }
0xe0: {  	v4 =	vperm.xlane v3, v0;
	_ =	sdelay $0x1  }
0xe1: {  	v3 =	vperm.xlane v3, v2;
	v4 =	vadd.s32 v1, v4;
	_ =	sdelay $0x1  }
0xe2: {  	v3 =	vadd.s32 v1, v3;
	_ =	sdelay $0x2  }
0xe3: {  	[tilespmem:s18], [sflag:$0x1] =	stream.indirect_vreg.gather [hbm4b:s1+s3], $0x80, v4, vm0, $0xb8;
	[tilespmem:$0x10200] =	vst v63  }
0xe4: {  	_ = 	snop  }
0xe5: {  	[tilespmem:s19], [sflag:$0x1] =	stream.indirect_vreg.gather [hbm4b:s1+s3], $0x80, v3, vm0, $0xb8;
	[tilespmem:$0x10200] =	vst v63  }
0xe6: {  	v3 =	vld [tilespmem:$0x130];
	_ =	sdelay $0x4  }
0xe7: {  	v51 =	vshll.u32 v3, $0x1  }
0xe8: {  	v3 =	vand.u32 $0x7, v3;
	v4 =	vand.u32 $0xFFFFFFF0, v51  }
0xe9: {  	v3 =	vor.u32 v3, v4  }
0xea: {  	v4 =	vperm.xlane v3, v0;
	_ =	sdelay $0x1  }
0xeb: {  	v3 =	vperm.xlane v3, v2;
	v4 =	vadd.s32 v1, v4;
	_ =	sdelay $0x1  }
0xec: {  	v3 =	vadd.s32 v1, v3;
	_ =	sdelay $0x2  }
0xed: {  	[tilespmem:s20], [sflag:$0x1] =	stream.indirect_vreg.gather [hbm4b:s1+s3], $0x80, v4, vm0, $0xb8;
	[tilespmem:$0x10200] =	vst v63  }
0xee: {  	_ = 	snop  }
0xef: {  	[tilespmem:s21], [sflag:$0x1] =	stream.indirect_vreg.gather [hbm4b:s1+s3], $0x80, v3, vm0, $0xb8;
	[tilespmem:$0x10200] =	vst v63  }
0xf0: {  	v3 =	vld [tilespmem:$0x140];
	_ =	sdelay $0x4  }
0xf1: {  	v52 =	vshll.u32 v3, $0x1  }
0xf2: {  	v3 =	vand.u32 $0x7, v3;
	v4 =	vand.u32 $0xFFFFFFF0, v52  }
0xf3: {  	v3 =	vor.u32 v3, v4  }
0xf4: {  	v4 =	vperm.xlane v3, v0;
	_ =	sdelay $0x1  }
0xf5: {  	v3 =	vperm.xlane v3, v2;
	v4 =	vadd.s32 v1, v4;
	_ =	sdelay $0x1  }
0xf6: {  	v3 =	vadd.s32 v1, v3;
	_ =	sdelay $0x2  }
0xf7: {  	[tilespmem:s23], [sflag:$0x1] =	stream.indirect_vreg.gather [hbm4b:s1+s3], $0x80, v4, vm0, $0xb8;
	[tilespmem:$0x10200] =	vst v63  }
0xf8: {  	_ = 	snop  }
0xf9: {  	[tilespmem:s24], [sflag:$0x1] =	stream.indirect_vreg.gather [hbm4b:s1+s3], $0x80, v3, vm0, $0xb8;
	[tilespmem:$0x10200] =	vst v63  }
0xfa: {  	v3 =	vld [tilespmem:$0x150];
	_ =	sdelay $0x4  }
0xfb: {  	v53 =	vshll.u32 v3, $0x1  }
0xfc: {  	v3 =	vand.u32 $0x7, v3;
	v4 =	vand.u32 $0xFFFFFFF0, v53  }
0xfd: {  	v3 =	vor.u32 v3, v4  }
0xfe: {  	v4 =	vperm.xlane v3, v0;
	_ =	sdelay $0x1  }
0xff: {  	v3 =	vperm.xlane v3, v2;
	v4 =	vadd.s32 v1, v4;
	_ =	sdelay $0x1  }
0x100: {  	v3 =	vadd.s32 v1, v3;
	_ =	sdelay $0x2  }
0x101: {  	[tilespmem:s25], [sflag:$0x1] =	stream.indirect_vreg.gather [hbm4b:s1+s3], $0x80, v4, vm0, $0xb8;
	[tilespmem:$0x10200] =	vst v63  }
0x102: {  	_ = 	snop  }
0x103: {  	[tilespmem:s26], [sflag:$0x1] =	stream.indirect_vreg.gather [hbm4b:s1+s3], $0x80, v3, vm0, $0xb8;
	[tilespmem:$0x10200] =	vst v63  }
0x104: {  	v3 =	vld [tilespmem:$0x160];
	_ =	sdelay $0x4  }
0x105: {  	v54 =	vshll.u32 v3, $0x1  }
0x106: {  	v3 =	vand.u32 $0x7, v3;
	v4 =	vand.u32 $0xFFFFFFF0, v54  }
0x107: {  	v3 =	vor.u32 v3, v4  }
0x108: {  	v4 =	vperm.xlane v3, v0;
	_ =	sdelay $0x1  }
0x109: {  	v3 =	vperm.xlane v3, v2;
	v4 =	vadd.s32 v1, v4;
	_ =	sdelay $0x1  }
0x10a: {  	v3 =	vadd.s32 v1, v3;
	_ =	sdelay $0x2  }
0x10b: {  	[tilespmem:s28], [sflag:$0x1] =	stream.indirect_vreg.gather [hbm4b:s1+s3], $0x80, v4, vm0, $0xb8;
	[tilespmem:$0x10200] =	vst v63  }
0x10c: {  	_ = 	snop  }
0x10d: {  	[tilespmem:s29], [sflag:$0x1] =	stream.indirect_vreg.gather [hbm4b:s1+s3], $0x80, v3, vm0, $0xb8;
	[tilespmem:$0x10200] =	vst v63  }
0x10e: {  	v3 =	vld [tilespmem:$0x170];
	_ =	sdelay $0x4  }
0x10f: {  	v55 =	vshll.u32 v3, $0x1  }
0x110: {  	v3 =	vand.u32 $0x7, v3;
	v4 =	vand.u32 $0xFFFFFFF0, v55  }
0x111: {  	v3 =	vor.u32 v3, v4  }
0x112: {  	v4 =	vperm.xlane v3, v0;
	_ =	sdelay $0x1  }
0x113: {  	v3 =	vperm.xlane v3, v2;
	v4 =	vadd.s32 v1, v4;
	_ =	sdelay $0x1  }
0x114: {  	v3 =	vadd.s32 v1, v3;
	_ =	sdelay $0x2  }
0x115: {  	[tilespmem:s30], [sflag:$0x1] =	stream.indirect_vreg.gather [hbm4b:s1+s3], $0x80, v4, vm0, $0xb8;
	[tilespmem:$0x10200] =	vst v63  }
0x116: {  	_ = 	snop  }
0x117: {  	[tilespmem:s31], [sflag:$0x1] =	stream.indirect_vreg.gather [hbm4b:s1+s3], $0x80, v3, vm0, $0xb8;
	[tilespmem:$0x10200] =	vst v63  }
0x118: {  	_ =	swait.ge [sflag:s13], $0x8000  }
0x119: {  	[sflag:s13] =	ssyncset.done $0x0  }
0x11a: {  	s12 =	rddreg [dreg:$0x6];
	[sflag:s13] =	ssyncadd.s32 $0xFFFF8000  }
0x11b: {  	[hbm4b:s12+s3] =	stream.linear.scatter [tilespmem:s0], [sflag:$0x3], $0x8000, $0x38;
	[tilespmem:$0x10200] =	vst v63  }
0x11c: {  	_ =	swait.ge [sflag:s5], $0x8000  }
0x11d: {  	[sflag:s5] =	ssyncset.done $0x0  }
0x11e: {  	[sflag:s5] =	ssyncadd.s32 $0xFFFF8000  }
0x11f: {  	v3 =	vld [tilespmem:$0x180];
	_ =	sdelay $0x4  }
0x120: {  	v56 =	vshll.u32 v3, $0x1  }
0x121: {  	v3 =	vand.u32 $0x7, v3;
	v4 =	vand.u32 $0xFFFFFFF0, v56  }
0x122: {  	v3 =	vor.u32 v3, v4  }
0x123: {  	v4 =	vperm.xlane v3, v0;
	_ =	sdelay $0x1  }
0x124: {  	v3 =	vperm.xlane v3, v2;
	v4 =	vadd.s32 v1, v4;
	_ =	sdelay $0x1  }
0x125: {  	v3 =	vadd.s32 v1, v3;
	_ =	sdelay $0x2  }
0x126: {  	[tilespmem:s0], [sflag:$0x2] =	stream.indirect_vreg.gather [hbm4b:s1+s3], $0x80, v4, vm0, $0xb8;
	[tilespmem:$0x10200] =	vst v63  }
0x127: {  	_ = 	snop  }
0x128: {  	[tilespmem:s22], [sflag:$0x2] =	stream.indirect_vreg.gather [hbm4b:s1+s3], $0x80, v3, vm0, $0xb8;
	[tilespmem:$0x10200] =	vst v63  }
0x129: {  	v3 =	vld [tilespmem:$0x190];
	_ =	sdelay $0x4  }
0x12a: {  	v57 =	vshll.u32 v3, $0x1  }
0x12b: {  	v3 =	vand.u32 $0x7, v3;
	v4 =	vand.u32 $0xFFFFFFF0, v57  }
0x12c: {  	v3 =	vor.u32 v3, v4  }
0x12d: {  	v4 =	vperm.xlane v3, v0;
	_ =	sdelay $0x1  }
0x12e: {  	v3 =	vperm.xlane v3, v2;
	v4 =	vadd.s32 v1, v4;
	_ =	sdelay $0x1  }
0x12f: {  	v3 =	vadd.s32 v1, v3;
	_ =	sdelay $0x1  }
0x130: {  	s14 =	simm.s32 $0x9200  }
0x131: {  	[tilespmem:s14], [sflag:$0x2] =	stream.indirect_vreg.gather [hbm4b:s1+s3], $0x80, v4, vm0, $0xb8;
	[tilespmem:$0x10200] =	vst v63  }
0x132: {  	_ = 	snop  }
0x133: {  	[tilespmem:s7], [sflag:$0x2] =	stream.indirect_vreg.gather [hbm4b:s1+s3], $0x80, v3, vm0, $0xb8;
	[tilespmem:$0x10200] =	vst v63  }
0x134: {  	v3 =	vld [tilespmem:$0x1A0];
	_ =	sdelay $0x4  }
0x135: {  	v58 =	vshll.u32 v3, $0x1  }
0x136: {  	v3 =	vand.u32 $0x7, v3;
	v4 =	vand.u32 $0xFFFFFFF0, v58  }
0x137: {  	v3 =	vor.u32 v3, v4  }
0x138: {  	v4 =	vperm.xlane v3, v0;
	_ =	sdelay $0x1  }
0x139: {  	v3 =	vperm.xlane v3, v2;
	v4 =	vadd.s32 v1, v4;
	_ =	sdelay $0x1  }
0x13a: {  	v3 =	vadd.s32 v1, v3;
	_ =	sdelay $0x2  }
0x13b: {  	[tilespmem:s8], [sflag:$0x2] =	stream.indirect_vreg.gather [hbm4b:s1+s3], $0x80, v4, vm0, $0xb8;
	[tilespmem:$0x10200] =	vst v63  }
0x13c: {  	_ = 	snop  }
0x13d: {  	[tilespmem:s9], [sflag:$0x2] =	stream.indirect_vreg.gather [hbm4b:s1+s3], $0x80, v3, vm0, $0xb8;
	[tilespmem:$0x10200] =	vst v63  }
0x13e: {  	v3 =	vld [tilespmem:$0x1B0];
	_ =	sdelay $0x4  }
0x13f: {  	v59 =	vshll.u32 v3, $0x1  }
0x140: {  	v3 =	vand.u32 $0x7, v3;
	v4 =	vand.u32 $0xFFFFFFF0, v59  }
0x141: {  	v3 =	vor.u32 v3, v4  }
0x142: {  	v4 =	vperm.xlane v3, v0;
	_ =	sdelay $0x1  }
0x143: {  	v3 =	vperm.xlane v3, v2;
	v4 =	vadd.s32 v1, v4;
	_ =	sdelay $0x1  }
0x144: {  	v3 =	vadd.s32 v1, v3;
	_ =	sdelay $0x2  }
0x145: {  	[tilespmem:s10], [sflag:$0x2] =	stream.indirect_vreg.gather [hbm4b:s1+s3], $0x80, v4, vm0, $0xb8;
	[tilespmem:$0x10200] =	vst v63  }
0x146: {  	_ = 	snop  }
0x147: {  	[tilespmem:s11], [sflag:$0x2] =	stream.indirect_vreg.gather [hbm4b:s1+s3], $0x80, v3, vm0, $0xb8;
	[tilespmem:$0x10200] =	vst v63  }
0x148: {  	v3 =	vld [tilespmem:$0x1C0];
	_ =	sdelay $0x4  }
0x149: {  	v60 =	vshll.u32 v3, $0x1  }
0x14a: {  	v3 =	vand.u32 $0x7, v3;
	v4 =	vand.u32 $0xFFFFFFF0, v60  }
0x14b: {  	v3 =	vor.u32 v3, v4  }
0x14c: {  	v4 =	vperm.xlane v3, v0;
	_ =	sdelay $0x1  }
0x14d: {  	v3 =	vperm.xlane v3, v2;
	v4 =	vadd.s32 v1, v4;
	_ =	sdelay $0x1  }
0x14e: {  	v3 =	vadd.s32 v1, v3;
	_ =	sdelay $0x2  }
0x14f: {  	[tilespmem:s6], [sflag:$0x2] =	stream.indirect_vreg.gather [hbm4b:s1+s3], $0x80, v4, vm0, $0xb8;
	[tilespmem:$0x10200] =	vst v63  }
0x150: {  	s14 =	simm.s32 $0xCA00  }
0x151: {  	[tilespmem:s14], [sflag:$0x2] =	stream.indirect_vreg.gather [hbm4b:s1+s3], $0x80, v3, vm0, $0xb8;
	[tilespmem:$0x10200] =	vst v63  }
0x152: {  	v3 =	vld [tilespmem:$0x1D0];
	_ =	sdelay $0x4  }
0x153: {  	v61 =	vshll.u32 v3, $0x1  }
0x154: {  	v3 =	vand.u32 $0x7, v3;
	v4 =	vand.u32 $0xFFFFFFF0, v61  }
0x155: {  	v3 =	vor.u32 v3, v4  }
0x156: {  	v4 =	vperm.xlane v3, v0;
	_ =	sdelay $0x1  }
0x157: {  	v3 =	vperm.xlane v3, v2;
	v4 =	vadd.s32 v1, v4;
	_ =	sdelay $0x1  }
0x158: {  	v3 =	vadd.s32 v1, v3;
	_ =	sdelay $0x1  }
0x159: {  	s12 =	simm.s32 $0xD200  }
0x15a: {  	[tilespmem:s12], [sflag:$0x2] =	stream.indirect_vreg.gather [hbm4b:s1+s3], $0x80, v4, vm0, $0xb8;
	[tilespmem:$0x10200] =	vst v63  }
0x15b: {  	s14 =	simm.s32 $0xDA00  }
0x15c: {  	[tilespmem:s14], [sflag:$0x2] =	stream.indirect_vreg.gather [hbm4b:s1+s3], $0x80, v3, vm0, $0xb8;
	[tilespmem:$0x10200] =	vst v63  }
0x15d: {  	v3 =	vld [tilespmem:$0x1E0];
	_ =	sdelay $0x4  }
0x15e: {  	v62 =	vshll.u32 v3, $0x1  }
0x15f: {  	v3 =	vand.u32 $0x7, v3;
	v4 =	vand.u32 $0xFFFFFFF0, v62  }
0x160: {  	v3 =	vor.u32 v3, v4  }
0x161: {  	v4 =	vperm.xlane v3, v0;
	_ =	sdelay $0x1  }
0x162: {  	v3 =	vperm.xlane v3, v2;
	v4 =	vadd.s32 v1, v4;
	_ =	sdelay $0x1  }
0x163: {  	v3 =	vadd.s32 v1, v3;
	_ =	sdelay $0x1  }
0x164: {  	s12 =	simm.s32 $0xE200  }
0x165: {  	[tilespmem:s12], [sflag:$0x2] =	stream.indirect_vreg.gather [hbm4b:s1+s3], $0x80, v4, vm0, $0xb8;
	[tilespmem:$0x10200] =	vst v63  }
0x166: {  	s14 =	simm.s32 $0xEA00  }
0x167: {  	[tilespmem:s14], [sflag:$0x2] =	stream.indirect_vreg.gather [hbm4b:s1+s3], $0x80, v3, vm0, $0xb8;
	[tilespmem:$0x10200] =	vst v63  }
0x168: {  	v3 =	vld [tilespmem:$0x1F0];
	_ =	sdelay $0x4  }
0x169: {  	v63 =	vshll.u32 v3, $0x1  }
0x16a: {  	v3 =	vand.u32 $0x7, v3;
	v4 =	vand.u32 $0xFFFFFFF0, v63  }
0x16b: {  	v3 =	vor.u32 v3, v4  }
0x16c: {  	v4 =	vperm.xlane v3, v0;
	_ =	sdelay $0x1  }
0x16d: {  	v3 =	vperm.xlane v3, v2;
	v4 =	vadd.s32 v1, v4;
	_ =	sdelay $0x1  }
0x16e: {  	v3 =	vadd.s32 v1, v3;
	_ =	sdelay $0x1  }
0x16f: {  	s12 =	simm.s32 $0xF200  }
0x170: {  	[tilespmem:s12], [sflag:$0x2] =	stream.indirect_vreg.gather [hbm4b:s1+s3], $0x80, v4, vm0, $0xb8;
	[tilespmem:$0x10200] =	vst v63  }
0x171: {  	s14 =	simm.s32 $0xFA00  }
0x172: {  	[tilespmem:s14], [sflag:$0x2] =	stream.indirect_vreg.gather [hbm4b:s1+s3], $0x80, v3, vm0, $0xb8;
	[tilespmem:$0x10200] =	vst v63  }
0x173: {  	_ =	swait.ge [sflag:s2], $0x8000  }
0x174: {  	[sflag:s2] =	ssyncset.done $0x0  }
0x175: {  	s12 =	simm.s32 $0x200;
	s6 =	rddreg [dreg:$0x7];
	[sflag:s2] =	ssyncadd.s32 $0xFFFF8000  }
0x176: {  	[hbm4b:s6+s3] =	stream.linear.scatter [tilespmem:s12], [sflag:$0x3], $0x8000, $0x38;
	[tilespmem:$0x10200] =	vst v63  }
0x177: {  	_ =	swait.ge [sflag:s5], $0x8000  }
0x178: {  	[sflag:s5] =	ssyncset.done $0x0  }
0x179: {  	[sflag:s5] =	ssyncadd.s32 $0xFFFF8000  }
0x17a: {  	_ =	swait.ge [sflag:s13], $0x8000  }
0x17b: {  	p0 =	sne.s32 s4, $0x1;
	[sflag:s13] =	ssyncset.done $0x0  }
.Ltmp0:
0x17c: {  	s12 =	rddreg [dreg:$0x8];
	[sflag:s13] =	ssyncadd.s32 $0xFFFF8000;
	(pc) =	sbr.rel @p0 .LBB2_1-.Ltmp0, $4  }
0x17d: {  	[hbm4b:s12+s3] =	stream.linear.scatter [tilespmem:s0], [sflag:$0x3], $0x8000, $0x38;
	[tilespmem:$0x10200] =	vst v63  }
0x17e: {  	_ =	swait.ge [sflag:s5], $0x8000  }
0x17f: {  	[sflag:s5] =	ssyncset.done $0x0  }
0x180: {  	s4 =	sadd.s32 $0xFFFFFFFF, s4;
	[sflag:s5] =	ssyncadd.s32 $0xFFFF8000  }
0x181: {  	_ =	sfence.sel $0x180000  }
0x182: {  	[bflag:$0x0] =	sbarrier.arrive $0xFFFF  }
0x183: {  	_ =	strace $0x90000047  }
0x184: {  	s0 =	stileid.u32;
	[bflag:$0x2] =	sbarrier.arrive $0xFFFF  }
0x185: {  	p0 =	sne.s32 s0, $0x0;
	s0 =	rddreg [dreg:$0x3]  }
0x186: {  	s0 =	sadd.s32 @!p0 $0x100000, s0  }
0x187: {  	[sflag:s0] =	ssyncadd.tile.s32 @!p0 $0x1;
	_ =	shalt  }
.Lfunc_end2:
_tile_overlayer_lowered:
.L_overlay_start_2:
0x188: {  	(tag) =	ssettag $0x2  }
0x189: {  	s0 =	rddreg [dreg:$0x0];
	s2 =	stileid.u32  }
0x18a: {  	s1 =	rddreg [dreg:$0x1];
	p0 =	sne.s32 s2, $0x0  }
0x18b: {  	s3 =	rddreg [dreg:$0x2];
	[bflag:$0x3] =	sbarrier.arrive $0xFFFF;
	s2 =	simm.s32 @!p0 $0x1C03  }
0x18c: {  	[timem:s3], [sflag:s2] =	dma.local @!p0 [hbm:s0], s1  }
0x18d: {  	s0 =	simm.s32 @!p0 $0x3  }
0x18e: {  	_ =	swait.ge @!p0 [sflag:s0], s1  }
0x18f: {  	s1 =	ssub.s32 @!p0 $0x0, s1;
	[sflag:s0] =	ssyncset.done @!p0 $0x0  }
0x190: {  	[sflag:s0] =	ssyncadd.s32 @!p0 s1  }
0x191: {  	[bflag:$0x3] =	sbarrier.arrive $0xFFFF  }
0x192: {  	_ =	shalt  }

</sc_bundles>
